<compile_context>
chip_gen: v7x
topology: tpu7x:2x2x1
jax: 0.10.2.dev20260603
libtpu: 0.0.44.dev20260713+nightly
codegen_flags: <defaults>
</compile_context>

<pallas_src>
import functools

import jax
import jax.numpy as jnp
from jax import lax
from jax.experimental import pallas as pl
from jax.experimental.pallas import tpu as pltpu
from jax.experimental.pallas import tpu_sc as plsc

N = 100000
E = 1600000
DI = 9
H = 64
KC = 1024

NC = 2
NS = 16
NW = NC * NS
EPT = E // NW
CH = 1000
NCH = EPT // CH

CH3 = 2000
NCH3 = EPT // CH3
ROWS2 = 1032
DUMMY = 1024
CAP = 144
FLUSH_AT = 128

BLK = 4000
GRID = N // BLK

_mesh = plsc.VectorSubcoreMesh(core_axis_name="c", subcore_axis_name="s")
_sc_params = pltpu.CompilerParams(use_tc_tiling_on_sc=False,
                                 needs_layout_passes=False)



def _k1_body(ei_hbm, zeros16_hbm, ones_hbm, deg_out, dstv, onesv, acc_sh):
    cid = lax.axis_index("c")
    sid = lax.axis_index("s")
    wid = cid * NS + sid

    @pl.when(sid == 0)
    def _():
        pltpu.sync_copy(zeros16_hbm, acc_sh)

    pltpu.sync_copy(ones_hbm, onesv)
    plsc.subcore_barrier()

    @pl.loop(0, NCH)
    def _(ci):
        off = wid * EPT + ci * CH
        pltpu.sync_copy(ei_hbm.at[1, pl.ds(off, CH)], dstv)
        pltpu.sync_copy(onesv, acc_sh.at[dstv], add=True)

    plsc.subcore_barrier()

    @pl.when(sid == 0)
    def _():
        pltpu.sync_copy(acc_sh, deg_out.at[cid])


_k1 = functools.partial(
    pl.kernel,
    out_type=jax.ShapeDtypeStruct((NC, N, 16), jnp.float32),
    mesh=_mesh,
    compiler_params=_sc_params,
    scratch_types=[
        pltpu.VMEM((CH,), jnp.int32),
        pltpu.VMEM((CH, 16), jnp.float32),
        pltpu.VMEM_SHARED((N, 16), jnp.float32),
    ],
)(_k1_body)



def _k2_body(ei_hbm, xs_hbm, zeros16_hbm, acc_out,
             srcv, dstv, rowv, acc_sh):
    cid = lax.axis_index("c")
    sid = lax.axis_index("s")
    wid = cid * NS + sid

    @pl.when(sid == 0)
    def _():
        pltpu.sync_copy(zeros16_hbm, acc_sh)

    plsc.subcore_barrier()

    @pl.loop(0, NCH)
    def _(ci):
        off = wid * EPT + ci * CH
        pltpu.sync_copy(ei_hbm.at[0, pl.ds(off, CH)], srcv)
        pltpu.sync_copy(ei_hbm.at[1, pl.ds(off, CH)], dstv)
        pltpu.sync_copy(xs_hbm.at[srcv], rowv)
        pltpu.sync_copy(rowv, acc_sh.at[dstv], add=True)

    plsc.subcore_barrier()

    @pl.when(sid == 0)
    def _():
        pltpu.sync_copy(acc_sh, acc_out.at[cid])


_k2 = functools.partial(
    pl.kernel,
    out_type=jax.ShapeDtypeStruct((NC, N, 16), jnp.float32),
    mesh=_mesh,
    compiler_params=_sc_params,
    scratch_types=[
        pltpu.VMEM((CH,), jnp.int32),
        pltpu.VMEM((CH,), jnp.int32),
        pltpu.VMEM((CH, 16), jnp.float32),
        pltpu.VMEM_SHARED((N, 16), jnp.float32),
    ],
)(_k2_body)



def _make_k3():
    def body(ei_hbm, cand_hbm, rep_hbm, h1s_hbm, dinv16_hbm,
             negones_hbm, zeros2_hbm,
             acc2_out, candrows_out, canddinv_out,
             candv, repv, srcv, dstv, csrc, cslot, rowbuf,
             kidx, crow, cdv, map_ref, acc2_sh):
        cid = lax.axis_index("c")
        sid = lax.axis_index("s")
        wid = cid * NS + sid

        pltpu.sync_copy(cand_hbm, candv)
        pltpu.sync_copy(rep_hbm, repv)

        @pl.when(sid == 0)
        def _():
            pltpu.sync_copy(zeros2_hbm, acc2_sh)

        pltpu.sync_copy(negones_hbm, map_ref)

        @pl.loop(0, KC, step=16)
        def _(g):
            c16 = candv[pl.ds(g, 16)]
            r16 = repv[pl.ds(g, 16)]
            plsc.store_scatter(map_ref, [c16], r16)

        plsc.subcore_barrier()

        def reset_bufs():
            for t in range(CAP // 16):
                csrc[pl.ds(t * 16, 16)] = jnp.zeros((16,), jnp.int32)
                cslot[pl.ds(t * 16, 16)] = jnp.full((16,), DUMMY, jnp.int32)

        reset_bufs()

        def flush():
            pltpu.sync_copy(h1s_hbm.at[csrc], rowbuf)
            pltpu.sync_copy(rowbuf, acc2_sh.at[cslot], add=True)
            reset_bufs()

        def grp(g, w):
            d16 = dstv[pl.ds(g * 16, 16)]
            s16 = srcv[pl.ds(g * 16, 16)]
            sl16 = plsc.load_gather(map_ref, [d16])
            m = sl16 >= 0
            plsc.store_compressed(csrc.at[pl.ds(w, 16)], s16, mask=m)
            plsc.store_compressed(cslot.at[pl.ds(w, 16)], sl16, mask=m)
            cnt = jnp.sum(jnp.where(m, 1, 0).astype(jnp.int32))
            w2 = w + cnt

            @pl.when(w2 >= FLUSH_AT)
            def _():
                flush()

            return jnp.where(w2 >= FLUSH_AT, 0, w2)

        def chunk(ci, w):
            off = wid * EPT + ci * CH3
            pltpu.sync_copy(ei_hbm.at[0, pl.ds(off, CH3)], srcv)
            pltpu.sync_copy(ei_hbm.at[1, pl.ds(off, CH3)], dstv)
            return lax.fori_loop(0, CH3 // 16, grp, w)

        lax.fori_loop(0, NCH3, chunk, jnp.int32(0))
        flush()

        kbase = wid * (KC // NW)
        kidx[pl.ds(0, 16)] = candv[pl.ds(kbase, 16)]
        kidx[pl.ds(16, 16)] = candv[pl.ds(kbase + 16, 16)]
        pltpu.sync_copy(h1s_hbm.at[kidx], crow)
        pltpu.sync_copy(dinv16_hbm.at[kidx], cdv)
        pltpu.sync_copy(crow, candrows_out.at[pl.ds(kbase, KC // NW)])
        pltpu.sync_copy(cdv, canddinv_out.at[pl.ds(kbase, KC // NW)])

        plsc.subcore_barrier()

        @pl.when(sid == 0)
        def _():
            pltpu.sync_copy(acc2_sh, acc2_out.at[cid])

    return functools.partial(
        pl.kernel,
        out_type=[
            jax.ShapeDtypeStruct((NC, ROWS2, H), jnp.float32),
            jax.ShapeDtypeStruct((KC, H), jnp.float32),
            jax.ShapeDtypeStruct((KC, 16), jnp.float32),
        ],
        mesh=_mesh,
        compiler_params=_sc_params,
        scratch_types=[
            pltpu.VMEM((KC,), jnp.int32),
            pltpu.VMEM((KC,), jnp.int32),
            pltpu.VMEM((CH3,), jnp.int32),
            pltpu.VMEM((CH3,), jnp.int32),
            pltpu.VMEM((CAP,), jnp.int32),
            pltpu.VMEM((CAP,), jnp.int32),
            pltpu.VMEM((CAP, H), jnp.float32),
            pltpu.VMEM((KC // NW,), jnp.int32),
            pltpu.VMEM((KC // NW, H), jnp.float32),
            pltpu.VMEM((KC // NW, 16), jnp.float32),
            pltpu.VMEM((N,), jnp.int32),
            pltpu.VMEM_SHARED((ROWS2, H), jnp.float32),
        ],
    )(body)


_k3 = _make_k3()



def _t0_body(col_ref, row_ref, rep_ref):
    col = col_ref[...]
    row = row_ref[...]
    eq = col == row
    jcol = lax.broadcasted_iota(jnp.int32, (KC, KC), 1)
    masked = jnp.where(eq, jcol, jnp.int32(1 << 30))
    rep_ref[...] = jnp.min(masked, axis=1, keepdims=True)


_t0 = pl.pallas_call(
    _t0_body,
    out_shape=jax.ShapeDtypeStruct((KC, 1), jnp.int32),
)



def _t1_body(deg_ref, x_ref, xs_ref, dinv16_ref):
    deg = deg_ref[0, :, 0:1] + deg_ref[1, :, 0:1] + 1.0
    dinv = 1.0 / jnp.sqrt(deg)
    dinv16_ref[...] = jnp.broadcast_to(dinv, (BLK, 16))
    xs = x_ref[...] * dinv
    xs_ref[...] = jnp.concatenate(
        [xs, jnp.zeros((BLK, 16 - DI), jnp.float32)], axis=1)


_t1 = pl.pallas_call(
    _t1_body,
    grid=(GRID,),
    in_specs=[
        pl.BlockSpec((NC, BLK, 16), lambda i: (0, i, 0)),
        pl.BlockSpec((BLK, DI), lambda i: (i, 0)),
    ],
    out_specs=[
        pl.BlockSpec((BLK, 16), lambda i: (i, 0)),
        pl.BlockSpec((BLK, 16), lambda i: (i, 0)),
    ],
    out_shape=[
        jax.ShapeDtypeStruct((N, 16), jnp.float32),
        jax.ShapeDtypeStruct((N, 16), jnp.float32),
    ],
)



def _t2_body(acc_ref, x_ref, dinv16_ref, w1_ref, b1_ref, h1s_ref):
    dinv = dinv16_ref[:, 0:1]
    acc9 = acc_ref[0, :, 0:DI] + acc_ref[1, :, 0:DI]
    agg = acc9 * dinv + x_ref[...] * (dinv * dinv)
    h1 = jnp.dot(agg, w1_ref[...], preferred_element_type=jnp.float32)
    h1 = jnp.maximum(h1 + b1_ref[...], 0.0)
    h1s_ref[...] = h1 * dinv


_t2 = pl.pallas_call(
    _t2_body,
    grid=(GRID,),
    in_specs=[
        pl.BlockSpec((NC, BLK, 16), lambda i: (0, i, 0)),
        pl.BlockSpec((BLK, DI), lambda i: (i, 0)),
        pl.BlockSpec((BLK, 16), lambda i: (i, 0)),
        pl.BlockSpec((DI, H), lambda i: (0, 0)),
        pl.BlockSpec((1, H), lambda i: (0, 0)),
    ],
    out_specs=pl.BlockSpec((BLK, H), lambda i: (i, 0)),
    out_shape=jax.ShapeDtypeStruct((N, H), jnp.float32),
)



def _t3_body(acc2_ref, rep_ref, candrows_ref, canddinv_ref,
             w2_ref, b2_ref, ws1_ref, bs1_ref, ws2_ref, bs2_ref, out_ref):
    total = acc2_ref[0] + acc2_ref[1]
    rep = rep_ref[...]
    jrow = lax.broadcasted_iota(jnp.int32, (KC, ROWS2), 1)
    onehot = jnp.where(rep == jrow, 1.0, 0.0)
    cand_acc = jnp.dot(onehot, total, preferred_element_type=jnp.float32)
    dinv = canddinv_ref[:, 0:1]
    pre = dinv * (cand_acc + candrows_ref[...])
    out2 = jnp.dot(pre, w2_ref[...],
                   preferred_element_type=jnp.float32) + b2_ref[...]
    cand_h = jnp.maximum(out2, 0.0)
    t = jnp.tanh(jnp.dot(cand_h, ws1_ref[...],
                         preferred_element_type=jnp.float32) + bs1_ref[...])
    out_ref[...] = jnp.dot(t, ws2_ref[...],
                           preferred_element_type=jnp.float32) + bs2_ref[...]


_t3 = pl.pallas_call(
    _t3_body,
    out_shape=jax.ShapeDtypeStruct((KC, 1), jnp.float32),
)


def kernel(x, edge_index, candidate_indices, W1, b1, W2, b2, Ws1, bs1, Ws2, bs2):
    cand = candidate_indices.astype(jnp.int32)

    zeros16 = jnp.zeros((N, 16), jnp.float32)
    ones_rows = jnp.ones((CH, 16), jnp.float32)
    negones = jnp.full((N,), -1, jnp.int32)
    zeros2 = jnp.zeros((ROWS2, H), jnp.float32)

    rep = _t0(cand.reshape(KC, 1), cand.reshape(1, KC))

    deg2 = _k1(edge_index, zeros16, ones_rows)
    xs16, dinv16 = _t1(deg2, x)
    acc1 = _k2(edge_index, xs16, zeros16)
    h1s = _t2(acc1, x, dinv16, W1, b1.reshape(1, H))
    acc2, candrows, canddinv = _k3(
        edge_index, cand, rep.reshape(KC), h1s, dinv16, negones, zeros2)
    scores = _t3(acc2, rep, candrows, canddinv,
                 W2, b2.reshape(1, H), Ws1, bs1.reshape(1, H),
                 Ws2, bs2.reshape(1, 1))
    return scores.reshape(KC)

# --- scband reference (transcript-rebuilt; emitter-appended) ---
"""Pipeline reference for scband-gnnnode-selection-policy-57827439674230 (READ-ONLY COPY).

The authoritative reference and input builder live on the scoring server;
editing this copy changes nothing except your own understanding.
"""

import jax, jax.numpy as jnp
import numpy as np

N_NODES = 100000
N_EDGES = 1600000
IN_DIM = 9
HIDDEN = 64
K = 1024


def setup_inputs(seed: int = 0) -> dict:
    key = jax.random.key(seed)
    ks = jax.random.split(key, 12)
    x = jax.random.normal(ks[0], (N_NODES, IN_DIM), dtype=jnp.float32)
    edge_index = jax.random.randint(ks[1], (2, N_EDGES), 0, N_NODES, dtype=jnp.int32)
    candidate_indices = jax.random.randint(ks[2], (K,), 0, N_NODES, dtype=jnp.int32)
    W1 = jax.random.normal(ks[3], (IN_DIM, HIDDEN), dtype=jnp.float32) * 0.1
    b1 = jnp.zeros((HIDDEN,), dtype=jnp.float32)
    W2 = jax.random.normal(ks[4], (HIDDEN, HIDDEN), dtype=jnp.float32) * 0.1
    b2 = jnp.zeros((HIDDEN,), dtype=jnp.float32)
    Ws1 = jax.random.normal(ks[5], (HIDDEN, HIDDEN), dtype=jnp.float32) * 0.1
    bs1 = jnp.zeros((HIDDEN,), dtype=jnp.float32)
    Ws2 = jax.random.normal(ks[6], (HIDDEN, 1), dtype=jnp.float32) * 0.1
    bs2 = jnp.zeros((1,), dtype=jnp.float32)
    return {"x": x, "edge_index": edge_index, "candidate_indices": candidate_indices,
            "W1": W1, "b1": b1, "W2": W2, "b2": b2,
            "Ws1": Ws1, "bs1": bs1, "Ws2": Ws2, "bs2": bs2}


def gcn_conv(x, edge_index, W, b, n_nodes):
    # Faithful GCNConv: x' = D^{-1/2} (A + I) D^{-1/2} (x W) + b
    src = edge_index[0]
    dst = edge_index[1]
    loop = jnp.arange(n_nodes, dtype=src.dtype)
    src = jnp.concatenate([src, loop])
    dst = jnp.concatenate([dst, loop])
    deg = jnp.zeros((n_nodes,), dtype=jnp.float32).at[dst].add(1.0)
    dinv = jnp.where(deg > 0, 1.0 / jnp.sqrt(deg), 0.0)
    norm = dinv[src] * dinv[dst]
    h = x @ W
    msg = h[src] * norm[:, None]
    out = jnp.zeros((n_nodes, W.shape[1]), dtype=jnp.float32).at[dst].add(msg)
    return out + b


def reference(x, edge_index, candidate_indices, W1, b1, W2, b2, Ws1, bs1, Ws2, bs2):
    n_nodes = x.shape[0]
    h = jax.nn.relu(gcn_conv(x, edge_index, W1, b1, n_nodes))
    h = jax.nn.relu(gcn_conv(h, edge_index, W2, b2, n_nodes))
    cand_h = jnp.take(h, candidate_indices, axis=0)
    scores = (jnp.tanh(cand_h @ Ws1 + bs1) @ Ws2 + bs2).squeeze(-1)
    # n_real == k here, so full_logits == scores (no -inf padding needed)
    return scores

if __name__ == "__main__":
    import jax
    _d = setup_inputs()
    print(jax.jit(kernel)(*tuple(_d.values())))

</pallas_src>

<mosaic_0001>
#map = affine_map<(d0, d1) -> (0, 0)>
#map1 = affine_map<(d0, d1) -> (0, 0, 0)>
module attributes {stable_mosaic.version = 14 : i64} {
  func.func @_k2_body(%arg0: i32, %arg1: i32, %arg2: memref<2x1600000xi32, #tpu.memory_space<hbm>>, %arg3: memref<100000x16xf32, #tpu.memory_space<hbm>>, %arg4: memref<100000x16xf32, #tpu.memory_space<hbm>>, %arg5: memref<2x100000x16xf32, #tpu.memory_space<hbm>>, %arg6: memref<1000xi32, #tpu.memory_space<vmem>>, %arg7: memref<1000xi32, #tpu.memory_space<vmem>>, %arg8: memref<1000x16xf32, #tpu.memory_space<vmem>>, %arg9: memref<100000x16xf32, #tpu.memory_space<vmem_shared>>) attributes {dimension_semantics = [#tpu.dimension_semantics<core_parallel>, #tpu.dimension_semantics<subcore_parallel>], iteration_bounds = array<i64: 2, 16>, scalar_prefetch = 0 : i64, scratch_operands = 4 : i64, tpu.core_type = #tpu.core_type<sc_vector_subcore>, window_params = [{transform_indices = #map}, {transform_indices = #map}, {transform_indices = #map}, {transform_indices = #map1}]} {
    %mul3A = arith.constant 16 : i32
    %mul3A_0 = arith.muli %arg0, %mul3A : i32
    %add3A = arith.addi %mul3A_0, %arg1 : i32
    %eq3A = arith.constant 0 : i32
    %eq3A_1 = arith.cmpi eq, %arg1, %eq3A : i32
    %convert_element_type3A = arith.extui %eq3A_1 : i1 to i32
    %cond3A = arith.constant 0 : i32
    %cond3A_2 = arith.cmpi ne, %convert_element_type3A, %cond3A : i32
    scf.if %cond3A_2 {
      "tpu.region"() ({
        %run_scoped3A = tpu.sem_alloc : memref<!tpu.dma_semaphore, #tpu.memory_space<semaphore_mem>>
        tpu.enqueue_dma source(%arg4 : memref<100000x16xf32, #tpu.memory_space<hbm>>) target(%arg9 : memref<100000x16xf32, #tpu.memory_space<vmem_shared>>) target_semaphore(%run_scoped3A : memref<!tpu.dma_semaphore, #tpu.memory_space<semaphore_mem>>)
        tpu.wait_dma2 semaphore(%run_scoped3A : memref<!tpu.dma_semaphore, #tpu.memory_space<semaphore_mem>>) src(%arg4 : memref<100000x16xf32, #tpu.memory_space<hbm>>) dst(%arg9 : memref<100000x16xf32, #tpu.memory_space<vmem_shared>>)
        tpu.yield
      }) : () -> ()
    } else {
    }
    %barrier3A = arith.constant 0 : index
    tpu.barrier barrier_id(%barrier3A)
    %scan3A = arith.constant 0 : i32
    %scan3A_3 = arith.constant 50 : i32
    %scan3A_4 = arith.addi %scan3A, %scan3A_3 : i32
    %scan3A_5 = arith.constant 1 : i32
    scf.for %scan3A_13 = %scan3A to %scan3A_4 step %scan3A_5  : i32 {
      %mul3A_14 = arith.constant 1 : i32
      %mul3A_15 = arith.muli %scan3A_13, %mul3A_14 : i32
      %add3A_16 = arith.constant 0 : i32
      %add3A_17 = arith.addi %add3A_16, %mul3A_15 : i32
      %mul3A_18 = arith.constant 50000 : i32
      %mul3A_19 = arith.muli %add3A, %mul3A_18 : i32
      %mul3A_20 = arith.constant 1000 : i32
      %mul3A_21 = arith.muli %add3A_17, %mul3A_20 : i32
      %add3A_22 = arith.addi %mul3A_19, %mul3A_21 : i32
      %run_scoped3A = arith.constant 0 : i32
      "tpu.region"() ({
        %run_scoped3A_24 = tpu.sem_alloc : memref<!tpu.dma_semaphore, #tpu.memory_space<semaphore_mem>>
        %dma_start3A = tpu.memref_slice %arg2[%run_scoped3A, %add3A_22] : memref<2x1600000xi32, #tpu.memory_space<hbm>> -> memref<1x1000xi32, #tpu.memory_space<hbm>>
        %dma_start3A_25 = tpu.memref_squeeze %dma_start3A : memref<1x1000xi32, #tpu.memory_space<hbm>> -> memref<1000xi32, #tpu.memory_space<hbm>>
        %dma_start3A_26 = tpu.memref_slice %arg2[%run_scoped3A, %add3A_22] : memref<2x1600000xi32, #tpu.memory_space<hbm>> -> memref<1x1000xi32, #tpu.memory_space<hbm>>
        %dma_start3A_27 = tpu.memref_squeeze %dma_start3A_26 : memref<1x1000xi32, #tpu.memory_space<hbm>> -> memref<1000xi32, #tpu.memory_space<hbm>>
        tpu.enqueue_dma source(%dma_start3A_27 : memref<1000xi32, #tpu.memory_space<hbm>>) target(%arg6 : memref<1000xi32, #tpu.memory_space<vmem>>) target_semaphore(%run_scoped3A_24 : memref<!tpu.dma_semaphore, #tpu.memory_space<semaphore_mem>>)
        %dma_wait3A = tpu.memref_slice %arg2[%run_scoped3A, %add3A_22] : memref<2x1600000xi32, #tpu.memory_space<hbm>> -> memref<1x1000xi32, #tpu.memory_space<hbm>>
        %dma_wait3A_28 = tpu.memref_squeeze %dma_wait3A : memref<1x1000xi32, #tpu.memory_space<hbm>> -> memref<1000xi32, #tpu.memory_space<hbm>>
        %dma_wait3A_29 = tpu.memref_slice %arg2[%run_scoped3A, %add3A_22] : memref<2x1600000xi32, #tpu.memory_space<hbm>> -> memref<1x1000xi32, #tpu.memory_space<hbm>>
        %dma_wait3A_30 = tpu.memref_squeeze %dma_wait3A_29 : memref<1x1000xi32, #tpu.memory_space<hbm>> -> memref<1000xi32, #tpu.memory_space<hbm>>
        tpu.wait_dma2 semaphore(%run_scoped3A_24 : memref<!tpu.dma_semaphore, #tpu.memory_space<semaphore_mem>>) src(%dma_wait3A_30 : memref<1000xi32, #tpu.memory_space<hbm>>) dst(%arg6 : memref<1000xi32, #tpu.memory_space<vmem>>)
        tpu.yield
      }) : () -> ()
      %run_scoped3A_23 = arith.constant 1 : i32
      "tpu.region"() ({
        %run_scoped3A_24 = tpu.sem_alloc : memref<!tpu.dma_semaphore, #tpu.memory_space<semaphore_mem>>
        %dma_start3A = tpu.memref_slice %arg2[%run_scoped3A_23, %add3A_22] : memref<2x1600000xi32, #tpu.memory_space<hbm>> -> memref<1x1000xi32, #tpu.memory_space<hbm>>
        %dma_start3A_25 = tpu.memref_squeeze %dma_start3A : memref<1x1000xi32, #tpu.memory_space<hbm>> -> memref<1000xi32, #tpu.memory_space<hbm>>
        %dma_start3A_26 = tpu.memref_slice %arg2[%run_scoped3A_23, %add3A_22] : memref<2x1600000xi32, #tpu.memory_space<hbm>> -> memref<1x1000xi32, #tpu.memory_space<hbm>>
        %dma_start3A_27 = tpu.memref_squeeze %dma_start3A_26 : memref<1x1000xi32, #tpu.memory_space<hbm>> -> memref<1000xi32, #tpu.memory_space<hbm>>
        tpu.enqueue_dma source(%dma_start3A_27 : memref<1000xi32, #tpu.memory_space<hbm>>) target(%arg7 : memref<1000xi32, #tpu.memory_space<vmem>>) target_semaphore(%run_scoped3A_24 : memref<!tpu.dma_semaphore, #tpu.memory_space<semaphore_mem>>)
        %dma_wait3A = tpu.memref_slice %arg2[%run_scoped3A_23, %add3A_22] : memref<2x1600000xi32, #tpu.memory_space<hbm>> -> memref<1x1000xi32, #tpu.memory_space<hbm>>
        %dma_wait3A_28 = tpu.memref_squeeze %dma_wait3A : memref<1x1000xi32, #tpu.memory_space<hbm>> -> memref<1000xi32, #tpu.memory_space<hbm>>
        %dma_wait3A_29 = tpu.memref_slice %arg2[%run_scoped3A_23, %add3A_22] : memref<2x1600000xi32, #tpu.memory_space<hbm>> -> memref<1x1000xi32, #tpu.memory_space<hbm>>
        %dma_wait3A_30 = tpu.memref_squeeze %dma_wait3A_29 : memref<1x1000xi32, #tpu.memory_space<hbm>> -> memref<1000xi32, #tpu.memory_space<hbm>>
        tpu.wait_dma2 semaphore(%run_scoped3A_24 : memref<!tpu.dma_semaphore, #tpu.memory_space<semaphore_mem>>) src(%dma_wait3A_30 : memref<1000xi32, #tpu.memory_space<hbm>>) dst(%arg7 : memref<1000xi32, #tpu.memory_space<vmem>>)
        tpu.yield
      }) : () -> ()
      "tpu.region"() ({
        %run_scoped3A_24 = tpu.sem_alloc : memref<!tpu.dma_semaphore, #tpu.memory_space<semaphore_mem>>
        %dma_start3A = arith.constant 0 : i32
        %dma_start3A_25 = arith.constant 0 : i32
        %dma_start3A_26 = tpu.memref_slice %arg3[%dma_start3A, %dma_start3A_25] : memref<100000x16xf32, #tpu.memory_space<hbm>> -> memref<100000x16xf32, #tpu.memory_space<hbm>>
        tpu.enqueue_indirect_dma source(%dma_start3A_26 : memref<100000x16xf32, #tpu.memory_space<hbm>>) target(%arg8 : memref<1000x16xf32, #tpu.memory_space<vmem>>) offsets(%arg6 : memref<1000xi32, #tpu.memory_space<vmem>>) semaphore(%run_scoped3A_24 : memref<!tpu.dma_semaphore, #tpu.memory_space<semaphore_mem>>)
        %dma_wait3A = arith.constant 0 : i32
        %dma_wait3A_27 = arith.constant 0 : i32
        %dma_wait3A_28 = tpu.memref_slice %arg3[%dma_wait3A, %dma_wait3A_27] : memref<100000x16xf32, #tpu.memory_space<hbm>> -> memref<100000x16xf32, #tpu.memory_space<hbm>>
        tpu.wait_indirect_dma semaphore(%run_scoped3A_24 : memref<!tpu.dma_semaphore, #tpu.memory_space<semaphore_mem>>) src(%dma_wait3A_28 : memref<100000x16xf32, #tpu.memory_space<hbm>>) dst(%arg8 : memref<1000x16xf32, #tpu.memory_space<vmem>>)
        tpu.yield
      }) : () -> ()
      "tpu.region"() ({
        %run_scoped3A_24 = tpu.sem_alloc : memref<!tpu.dma_semaphore, #tpu.memory_space<semaphore_mem>>
        %dma_start3A = arith.constant 0 : i32
        %dma_start3A_25 = arith.constant 0 : i32
        %dma_start3A_26 = tpu.memref_slice %arg9[%dma_start3A, %dma_start3A_25] : memref<100000x16xf32, #tpu.memory_space<vmem_shared>> -> memref<100000x16xf32, #tpu.memory_space<vmem_shared>>
        tpu.enqueue_indirect_dma source(%arg8 : memref<1000x16xf32, #tpu.memory_space<vmem>>) target(%dma_start3A_26 : memref<100000x16xf32, #tpu.memory_space<vmem_shared>>) offsets(%arg7 : memref<1000xi32, #tpu.memory_space<vmem>>) semaphore(%run_scoped3A_24 : memref<!tpu.dma_semaphore, #tpu.memory_space<semaphore_mem>>) {add = true}
        %dma_wait3A = arith.constant 0 : i32
        %dma_wait3A_27 = arith.constant 0 : i32
        %dma_wait3A_28 = tpu.memref_slice %arg9[%dma_wait3A, %dma_wait3A_27] : memref<100000x16xf32, #tpu.memory_space<vmem_shared>> -> memref<100000x16xf32, #tpu.memory_space<vmem_shared>>
        tpu.wait_indirect_dma semaphore(%run_scoped3A_24 : memref<!tpu.dma_semaphore, #tpu.memory_space<semaphore_mem>>) src(%arg8 : memref<1000x16xf32, #tpu.memory_space<vmem>>) dst(%dma_wait3A_28 : memref<100000x16xf32, #tpu.memory_space<vmem_shared>>)
        tpu.yield
      }) : () -> ()
    }
    %scan3A_6 = arith.constant 50 : i32
    %barrier3A_7 = arith.constant 0 : index
    tpu.barrier barrier_id(%barrier3A_7)
    %eq3A_8 = arith.constant 0 : i32
    %eq3A_9 = arith.cmpi eq, %arg1, %eq3A_8 : i32
    %convert_element_type3A_10 = arith.extui %eq3A_9 : i1 to i32
    %cond3A_11 = arith.constant 0 : i32
    %cond3A_12 = arith.cmpi ne, %convert_element_type3A_10, %cond3A_11 : i32
    scf.if %cond3A_12 {
      "tpu.region"() ({
        %run_scoped3A = tpu.sem_alloc : memref<!tpu.dma_semaphore, #tpu.memory_space<semaphore_mem>>
        %dma_start3A = arith.constant 0 : i32
        %dma_start3A_13 = arith.constant 0 : i32
        %dma_start3A_14 = tpu.memref_slice %arg5[%arg0, %dma_start3A, %dma_start3A_13] : memref<2x100000x16xf32, #tpu.memory_space<hbm>> -> memref<1x100000x16xf32, #tpu.memory_space<hbm>>
        %dma_start3A_15 = tpu.memref_squeeze %dma_start3A_14 : memref<1x100000x16xf32, #tpu.memory_space<hbm>> -> memref<100000x16xf32, #tpu.memory_space<hbm>>
        tpu.enqueue_dma source(%arg9 : memref<100000x16xf32, #tpu.memory_space<vmem_shared>>) target(%dma_start3A_15 : memref<100000x16xf32, #tpu.memory_space<hbm>>) target_semaphore(%run_scoped3A : memref<!tpu.dma_semaphore, #tpu.memory_space<semaphore_mem>>)
        %dma_wait3A = arith.constant 0 : i32
        %dma_wait3A_16 = arith.constant 0 : i32
        %dma_wait3A_17 = tpu.memref_slice %arg5[%arg0, %dma_wait3A, %dma_wait3A_16] : memref<2x100000x16xf32, #tpu.memory_space<hbm>> -> memref<1x100000x16xf32, #tpu.memory_space<hbm>>
        %dma_wait3A_18 = tpu.memref_squeeze %dma_wait3A_17 : memref<1x100000x16xf32, #tpu.memory_space<hbm>> -> memref<100000x16xf32, #tpu.memory_space<hbm>>
        tpu.wait_dma2 semaphore(%run_scoped3A : memref<!tpu.dma_semaphore, #tpu.memory_space<semaphore_mem>>) src(%arg9 : memref<100000x16xf32, #tpu.memory_space<vmem_shared>>) dst(%dma_wait3A_18 : memref<100000x16xf32, #tpu.memory_space<hbm>>)
        tpu.yield
      }) : () -> ()
    } else {
    }
    return
  }
}

#map = affine_map<(d0, d1) -> (0, 0)>
#map1 = affine_map<(d0, d1) -> (0)>
#map2 = affine_map<(d0, d1) -> (0, 0, 0)>
module attributes {stable_mosaic.version = 14 : i64} {
  func.func @body(%arg0: i32, %arg1: i32, %arg2: memref<2x1600000xi32, #tpu.memory_space<hbm>>, %arg3: memref<1024xi32, #tpu.memory_space<hbm>>, %arg4: memref<1024xi32, #tpu.memory_space<hbm>>, %arg5: memref<100000x64xf32, #tpu.memory_space<hbm>>, %arg6: memref<100000x16xf32, #tpu.memory_space<hbm>>, %arg7: memref<100000xi32, #tpu.memory_space<hbm>>, %arg8: memref<1032x64xf32, #tpu.memory_space<hbm>>, %arg9: memref<2x1032x64xf32, #tpu.memory_space<hbm>>, %arg10: memref<1024x64xf32, #tpu.memory_space<hbm>>, %arg11: memref<1024x16xf32, #tpu.memory_space<hbm>>, %arg12: memref<1024xi32, #tpu.memory_space<vmem>>, %arg13: memref<1024xi32, #tpu.memory_space<vmem>>, %arg14: memref<2000xi32, #tpu.memory_space<vmem>>, %arg15: memref<2000xi32, #tpu.memory_space<vmem>>, %arg16: memref<144xi32, #tpu.memory_space<vmem>>, %arg17: memref<144xi32, #tpu.memory_space<vmem>>, %arg18: memref<144x64xf32, #tpu.memory_space<vmem>>, %arg19: memref<32xi32, #tpu.memory_space<vmem>>, %arg20: memref<32x64xf32, #tpu.memory_space<vmem>>, %arg21: memref<32x16xf32, #tpu.memory_space<vmem>>, %arg22: memref<100000xi32, #tpu.memory_space<vmem>>, %arg23: memref<1032x64xf32, #tpu.memory_space<vmem_shared>>) attributes {dimension_semantics = [#tpu.dimension_semantics<core_parallel>, #tpu.dimension_semantics<subcore_parallel>], iteration_bounds = array<i64: 2, 16>, scalar_prefetch = 0 : i64, scratch_operands = 12 : i64, tpu.core_type = #tpu.core_type<sc_vector_subcore>, window_params = [{transform_indices = #map}, {transform_indices = #map1}, {transform_indices = #map1}, {transform_indices = #map}, {transform_indices = #map}, {transform_indices = #map1}, {transform_indices = #map}, {transform_indices = #map2}, {transform_indices = #map}, {transform_indices = #map}]} {
    %mul3A = arith.constant 16 : i32
    %mul3A_0 = arith.muli %arg0, %mul3A : i32
    %add3A = arith.addi %mul3A_0, %arg1 : i32
    "tpu.region"() ({
      %run_scoped3A = tpu.sem_alloc : memref<!tpu.dma_semaphore, #tpu.memory_space<semaphore_mem>>
      tpu.enqueue_dma source(%arg3 : memref<1024xi32, #tpu.memory_space<hbm>>) target(%arg12 : memref<1024xi32, #tpu.memory_space<vmem>>) target_semaphore(%run_scoped3A : memref<!tpu.dma_semaphore, #tpu.memory_space<semaphore_mem>>)
      tpu.wait_dma2 semaphore(%run_scoped3A : memref<!tpu.dma_semaphore, #tpu.memory_space<semaphore_mem>>) src(%arg3 : memref<1024xi32, #tpu.memory_space<hbm>>) dst(%arg12 : memref<1024xi32, #tpu.memory_space<vmem>>)
      tpu.yield
    }) : () -> ()
    "tpu.region"() ({
      %run_scoped3A = tpu.sem_alloc : memref<!tpu.dma_semaphore, #tpu.memory_space<semaphore_mem>>
      tpu.enqueue_dma source(%arg4 : memref<1024xi32, #tpu.memory_space<hbm>>) target(%arg13 : memref<1024xi32, #tpu.memory_space<vmem>>) target_semaphore(%run_scoped3A : memref<!tpu.dma_semaphore, #tpu.memory_space<semaphore_mem>>)
      tpu.wait_dma2 semaphore(%run_scoped3A : memref<!tpu.dma_semaphore, #tpu.memory_space<semaphore_mem>>) src(%arg4 : memref<1024xi32, #tpu.memory_space<hbm>>) dst(%arg13 : memref<1024xi32, #tpu.memory_space<vmem>>)
      tpu.yield
    }) : () -> ()
    %eq3A = arith.constant 0 : i32
    %eq3A_1 = arith.cmpi eq, %arg1, %eq3A : i32
    %convert_element_type3A = arith.extui %eq3A_1 : i1 to i32
    %cond3A = arith.constant 0 : i32
    %cond3A_2 = arith.cmpi ne, %convert_element_type3A, %cond3A : i32
    scf.if %cond3A_2 {
      "tpu.region"() ({
        %run_scoped3A = tpu.sem_alloc : memref<!tpu.dma_semaphore, #tpu.memory_space<semaphore_mem>>
        tpu.enqueue_dma source(%arg8 : memref<1032x64xf32, #tpu.memory_space<hbm>>) target(%arg23 : memref<1032x64xf32, #tpu.memory_space<vmem_shared>>) target_semaphore(%run_scoped3A : memref<!tpu.dma_semaphore, #tpu.memory_space<semaphore_mem>>)
        tpu.wait_dma2 semaphore(%run_scoped3A : memref<!tpu.dma_semaphore, #tpu.memory_space<semaphore_mem>>) src(%arg8 : memref<1032x64xf32, #tpu.memory_space<hbm>>) dst(%arg23 : memref<1032x64xf32, #tpu.memory_space<vmem_shared>>)
        tpu.yield
      }) : () -> ()
    } else {
    }
    "tpu.region"() ({
      %run_scoped3A = tpu.sem_alloc : memref<!tpu.dma_semaphore, #tpu.memory_space<semaphore_mem>>
      tpu.enqueue_dma source(%arg7 : memref<100000xi32, #tpu.memory_space<hbm>>) target(%arg22 : memref<100000xi32, #tpu.memory_space<vmem>>) target_semaphore(%run_scoped3A : memref<!tpu.dma_semaphore, #tpu.memory_space<semaphore_mem>>)
      tpu.wait_dma2 semaphore(%run_scoped3A : memref<!tpu.dma_semaphore, #tpu.memory_space<semaphore_mem>>) src(%arg7 : memref<100000xi32, #tpu.memory_space<hbm>>) dst(%arg22 : memref<100000xi32, #tpu.memory_space<vmem>>)
      tpu.yield
    }) : () -> ()
    %scan3A = arith.constant 0 : i32
    %scan3A_3 = arith.constant 64 : i32
    %scan3A_4 = arith.addi %scan3A, %scan3A_3 : i32
    %scan3A_5 = arith.constant 1 : i32
    scf.for %scan3A_173 = %scan3A to %scan3A_4 step %scan3A_5  : i32 {
      %mul3A_174 = arith.constant 16 : i32
      %mul3A_175 = arith.muli %scan3A_173, %mul3A_174 : i32
      %add3A_176 = arith.constant 0 : i32
      %add3A_177 = arith.addi %add3A_176, %mul3A_175 : i32
      %get3A_178 = arith.index_cast %add3A_177 : i32 to index
      %get3A_179 = tpu.vector_load %arg12[%get3A_178] {strides = array<i32>} : memref<1024xi32, #tpu.memory_space<vmem>>, vector<16xi32>,
      %get3A_180 = arith.index_cast %add3A_177 : i32 to index
      %get3A_181 = tpu.vector_load %arg13[%get3A_180] {strides = array<i32>} : memref<1024xi32, #tpu.memory_space<vmem>>, vector<16xi32>,
      tpu.vector_store_idx %arg22[%get3A_179], %get3A_181 : memref<100000xi32, #tpu.memory_space<vmem>>[vector<16xi32>], vector<16xi32>,
    }
    %scan3A_6 = arith.constant 64 : i32
    %barrier3A = arith.constant 0 : index
    tpu.barrier barrier_id(%barrier3A)
    %broadcast_in_dim3A = arith.constant 0 : i32
    %broadcast_in_dim3A_7 = vector.broadcast %broadcast_in_dim3A : i32 to vector<16xi32>
    %swap3A = arith.constant 0 : index
    %swap3A_8 = tpu.vector_load %arg16[%swap3A] {strides = array<i32>} : memref<144xi32, #tpu.memory_space<vmem>>, vector<16xi32>,
    tpu.vector_store %arg16[%swap3A], %broadcast_in_dim3A_7 {strides = array<i32>} : memref<144xi32, #tpu.memory_space<vmem>>, vector<16xi32>,
    %broadcast_in_dim3A_9 = arith.constant 1024 : i32
    %broadcast_in_dim3A_10 = vector.broadcast %broadcast_in_dim3A_9 : i32 to vector<16xi32>
    %swap3A_11 = arith.constant 0 : index
    %swap3A_12 = tpu.vector_load %arg17[%swap3A_11] {strides = array<i32>} : memref<144xi32, #tpu.memory_space<vmem>>, vector<16xi32>,
    tpu.vector_store %arg17[%swap3A_11], %broadcast_in_dim3A_10 {strides = array<i32>} : memref<144xi32, #tpu.memory_space<vmem>>, vector<16xi32>,
    %broadcast_in_dim3A_13 = arith.constant 0 : i32
    %broadcast_in_dim3A_14 = vector.broadcast %broadcast_in_dim3A_13 : i32 to vector<16xi32>
    %swap3A_15 = arith.constant 16 : index
    %swap3A_16 = tpu.vector_load %arg16[%swap3A_15] {strides = array<i32>} : memref<144xi32, #tpu.memory_space<vmem>>, vector<16xi32>,
    tpu.vector_store %arg16[%swap3A_15], %broadcast_in_dim3A_14 {strides = array<i32>} : memref<144xi32, #tpu.memory_space<vmem>>, vector<16xi32>,
    %broadcast_in_dim3A_17 = arith.constant 1024 : i32
    %broadcast_in_dim3A_18 = vector.broadcast %broadcast_in_dim3A_17 : i32 to vector<16xi32>
    %swap3A_19 = arith.constant 16 : index
    %swap3A_20 = tpu.vector_load %arg17[%swap3A_19] {strides = array<i32>} : memref<144xi32, #tpu.memory_space<vmem>>, vector<16xi32>,
    tpu.vector_store %arg17[%swap3A_19], %broadcast_in_dim3A_18 {strides = array<i32>} : memref<144xi32, #tpu.memory_space<vmem>>, vector<16xi32>,
    %broadcast_in_dim3A_21 = arith.constant 0 : i32
    %broadcast_in_dim3A_22 = vector.broadcast %broadcast_in_dim3A_21 : i32 to vector<16xi32>
    %swap3A_23 = arith.constant 32 : index
    %swap3A_24 = tpu.vector_load %arg16[%swap3A_23] {strides = array<i32>} : memref<144xi32, #tpu.memory_space<vmem>>, vector<16xi32>,
    tpu.vector_store %arg16[%swap3A_23], %broadcast_in_dim3A_22 {strides = array<i32>} : memref<144xi32, #tpu.memory_space<vmem>>, vector<16xi32>,
    %broadcast_in_dim3A_25 = arith.constant 1024 : i32
    %broadcast_in_dim3A_26 = vector.broadcast %broadcast_in_dim3A_25 : i32 to vector<16xi32>
    %swap3A_27 = arith.constant 32 : index
    %swap3A_28 = tpu.vector_load %arg17[%swap3A_27] {strides = array<i32>} : memref<144xi32, #tpu.memory_space<vmem>>, vector<16xi32>,
    tpu.vector_store %arg17[%swap3A_27], %broadcast_in_dim3A_26 {strides = array<i32>} : memref<144xi32, #tpu.memory_space<vmem>>, vector<16xi32>,
    %broadcast_in_dim3A_29 = arith.constant 0 : i32
    %broadcast_in_dim3A_30 = vector.broadcast %broadcast_in_dim3A_29 : i32 to vector<16xi32>
    %swap3A_31 = arith.constant 48 : index
    %swap3A_32 = tpu.vector_load %arg16[%swap3A_31] {strides = array<i32>} : memref<144xi32, #tpu.memory_space<vmem>>, vector<16xi32>,
    tpu.vector_store %arg16[%swap3A_31], %broadcast_in_dim3A_30 {strides = array<i32>} : memref<144xi32, #tpu.memory_space<vmem>>, vector<16xi32>,
    %broadcast_in_dim3A_33 = arith.constant 1024 : i32
    %broadcast_in_dim3A_34 = vector.broadcast %broadcast_in_dim3A_33 : i32 to vector<16xi32>
    %swap3A_35 = arith.constant 48 : index
    %swap3A_36 = tpu.vector_load %arg17[%swap3A_35] {strides = array<i32>} : memref<144xi32, #tpu.memory_space<vmem>>, vector<16xi32>,
    tpu.vector_store %arg17[%swap3A_35], %broadcast_in_dim3A_34 {strides = array<i32>} : memref<144xi32, #tpu.memory_space<vmem>>, vector<16xi32>,
    %broadcast_in_dim3A_37 = arith.constant 0 : i32
    %broadcast_in_dim3A_38 = vector.broadcast %broadcast_in_dim3A_37 : i32 to vector<16xi32>
    %swap3A_39 = arith.constant 64 : index
    %swap3A_40 = tpu.vector_load %arg16[%swap3A_39] {strides = array<i32>} : memref<144xi32, #tpu.memory_space<vmem>>, vector<16xi32>,
    tpu.vector_store %arg16[%swap3A_39], %broadcast_in_dim3A_38 {strides = array<i32>} : memref<144xi32, #tpu.memory_space<vmem>>, vector<16xi32>,
    %broadcast_in_dim3A_41 = arith.constant 1024 : i32
    %broadcast_in_dim3A_42 = vector.broadcast %broadcast_in_dim3A_41 : i32 to vector<16xi32>
    %swap3A_43 = arith.constant 64 : index
    %swap3A_44 = tpu.vector_load %arg17[%swap3A_43] {strides = array<i32>} : memref<144xi32, #tpu.memory_space<vmem>>, vector<16xi32>,
    tpu.vector_store %arg17[%swap3A_43], %broadcast_in_dim3A_42 {strides = array<i32>} : memref<144xi32, #tpu.memory_space<vmem>>, vector<16xi32>,
    %broadcast_in_dim3A_45 = arith.constant 0 : i32
    %broadcast_in_dim3A_46 = vector.broadcast %broadcast_in_dim3A_45 : i32 to vector<16xi32>
    %swap3A_47 = arith.constant 80 : index
    %swap3A_48 = tpu.vector_load %arg16[%swap3A_47] {strides = array<i32>} : memref<144xi32, #tpu.memory_space<vmem>>, vector<16xi32>,
    tpu.vector_store %arg16[%swap3A_47], %broadcast_in_dim3A_46 {strides = array<i32>} : memref<144xi32, #tpu.memory_space<vmem>>, vector<16xi32>,
    %broadcast_in_dim3A_49 = arith.constant 1024 : i32
    %broadcast_in_dim3A_50 = vector.broadcast %broadcast_in_dim3A_49 : i32 to vector<16xi32>
    %swap3A_51 = arith.constant 80 : index
    %swap3A_52 = tpu.vector_load %arg17[%swap3A_51] {strides = array<i32>} : memref<144xi32, #tpu.memory_space<vmem>>, vector<16xi32>,
    tpu.vector_store %arg17[%swap3A_51], %broadcast_in_dim3A_50 {strides = array<i32>} : memref<144xi32, #tpu.memory_space<vmem>>, vector<16xi32>,
    %broadcast_in_dim3A_53 = arith.constant 0 : i32
    %broadcast_in_dim3A_54 = vector.broadcast %broadcast_in_dim3A_53 : i32 to vector<16xi32>
    %swap3A_55 = arith.constant 96 : index
    %swap3A_56 = tpu.vector_load %arg16[%swap3A_55] {strides = array<i32>} : memref<144xi32, #tpu.memory_space<vmem>>, vector<16xi32>,
    tpu.vector_store %arg16[%swap3A_55], %broadcast_in_dim3A_54 {strides = array<i32>} : memref<144xi32, #tpu.memory_space<vmem>>, vector<16xi32>,
    %broadcast_in_dim3A_57 = arith.constant 1024 : i32
    %broadcast_in_dim3A_58 = vector.broadcast %broadcast_in_dim3A_57 : i32 to vector<16xi32>
    %swap3A_59 = arith.constant 96 : index
    %swap3A_60 = tpu.vector_load %arg17[%swap3A_59] {strides = array<i32>} : memref<144xi32, #tpu.memory_space<vmem>>, vector<16xi32>,
    tpu.vector_store %arg17[%swap3A_59], %broadcast_in_dim3A_58 {strides = array<i32>} : memref<144xi32, #tpu.memory_space<vmem>>, vector<16xi32>,
    %broadcast_in_dim3A_61 = arith.constant 0 : i32
    %broadcast_in_dim3A_62 = vector.broadcast %broadcast_in_dim3A_61 : i32 to vector<16xi32>
    %swap3A_63 = arith.constant 112 : index
    %swap3A_64 = tpu.vector_load %arg16[%swap3A_63] {strides = array<i32>} : memref<144xi32, #tpu.memory_space<vmem>>, vector<16xi32>,
    tpu.vector_store %arg16[%swap3A_63], %broadcast_in_dim3A_62 {strides = array<i32>} : memref<144xi32, #tpu.memory_space<vmem>>, vector<16xi32>,
    %broadcast_in_dim3A_65 = arith.constant 1024 : i32
    %broadcast_in_dim3A_66 = vector.broadcast %broadcast_in_dim3A_65 : i32 to vector<16xi32>
    %swap3A_67 = arith.constant 112 : index
    %swap3A_68 = tpu.vector_load %arg17[%swap3A_67] {strides = array<i32>} : memref<144xi32, #tpu.memory_space<vmem>>, vector<16xi32>,
    tpu.vector_store %arg17[%swap3A_67], %broadcast_in_dim3A_66 {strides = array<i32>} : memref<144xi32, #tpu.memory_space<vmem>>, vector<16xi32>,
    %broadcast_in_dim3A_69 = arith.constant 0 : i32
    %broadcast_in_dim3A_70 = vector.broadcast %broadcast_in_dim3A_69 : i32 to vector<16xi32>
    %swap3A_71 = arith.constant 128 : index
    %swap3A_72 = tpu.vector_load %arg16[%swap3A_71] {strides = array<i32>} : memref<144xi32, #tpu.memory_space<vmem>>, vector<16xi32>,
    tpu.vector_store %arg16[%swap3A_71], %broadcast_in_dim3A_70 {strides = array<i32>} : memref<144xi32, #tpu.memory_space<vmem>>, vector<16xi32>,
    %broadcast_in_dim3A_73 = arith.constant 1024 : i32
    %broadcast_in_dim3A_74 = vector.broadcast %broadcast_in_dim3A_73 : i32 to vector<16xi32>
    %swap3A_75 = arith.constant 128 : index
    %swap3A_76 = tpu.vector_load %arg17[%swap3A_75] {strides = array<i32>} : memref<144xi32, #tpu.memory_space<vmem>>, vector<16xi32>,
    tpu.vector_store %arg17[%swap3A_75], %broadcast_in_dim3A_74 {strides = array<i32>} : memref<144xi32, #tpu.memory_space<vmem>>, vector<16xi32>,
    %scan3A_77 = arith.constant 0 : i32
    %scan3A_78 = arith.constant 0 : i32
    %scan3A_79 = arith.constant 25 : i32
    %scan3A_80 = arith.addi %scan3A_78, %scan3A_79 : i32
    %scan3A_81 = arith.constant 1 : i32
    %scan3A_82 = scf.for %scan3A_173 = %scan3A_78 to %scan3A_80 step %scan3A_81 iter_args(%scan3A_174 = %scan3A_77) -> (i32)  : i32 {
      %mul3A_175 = arith.constant 50000 : i32
      %mul3A_176 = arith.muli %add3A, %mul3A_175 : i32
      %mul3A_177 = arith.constant 2000 : i32
      %mul3A_178 = arith.muli %scan3A_173, %mul3A_177 : i32
      %add3A_179 = arith.addi %mul3A_176, %mul3A_178 : i32
      %run_scoped3A = arith.constant 0 : i32
      "tpu.region"() ({
        %run_scoped3A_187 = tpu.sem_alloc : memref<!tpu.dma_semaphore, #tpu.memory_space<semaphore_mem>>
        %dma_start3A = tpu.memref_slice %arg2[%run_scoped3A, %add3A_179] : memref<2x1600000xi32, #tpu.memory_space<hbm>> -> memref<1x2000xi32, #tpu.memory_space<hbm>>
        %dma_start3A_188 = tpu.memref_squeeze %dma_start3A : memref<1x2000xi32, #tpu.memory_space<hbm>> -> memref<2000xi32, #tpu.memory_space<hbm>>
        %dma_start3A_189 = tpu.memref_slice %arg2[%run_scoped3A, %add3A_179] : memref<2x1600000xi32, #tpu.memory_space<hbm>> -> memref<1x2000xi32, #tpu.memory_space<hbm>>
        %dma_start3A_190 = tpu.memref_squeeze %dma_start3A_189 : memref<1x2000xi32, #tpu.memory_space<hbm>> -> memref<2000xi32, #tpu.memory_space<hbm>>
        tpu.enqueue_dma source(%dma_start3A_190 : memref<2000xi32, #tpu.memory_space<hbm>>) target(%arg14 : memref<2000xi32, #tpu.memory_space<vmem>>) target_semaphore(%run_scoped3A_187 : memref<!tpu.dma_semaphore, #tpu.memory_space<semaphore_mem>>)
        %dma_wait3A = tpu.memref_slice %arg2[%run_scoped3A, %add3A_179] : memref<2x1600000xi32, #tpu.memory_space<hbm>> -> memref<1x2000xi32, #tpu.memory_space<hbm>>
        %dma_wait3A_191 = tpu.memref_squeeze %dma_wait3A : memref<1x2000xi32, #tpu.memory_space<hbm>> -> memref<2000xi32, #tpu.memory_space<hbm>>
        %dma_wait3A_192 = tpu.memref_slice %arg2[%run_scoped3A, %add3A_179] : memref<2x1600000xi32, #tpu.memory_space<hbm>> -> memref<1x2000xi32, #tpu.memory_space<hbm>>
        %dma_wait3A_193 = tpu.memref_squeeze %dma_wait3A_192 : memref<1x2000xi32, #tpu.memory_space<hbm>> -> memref<2000xi32, #tpu.memory_space<hbm>>
        tpu.wait_dma2 semaphore(%run_scoped3A_187 : memref<!tpu.dma_semaphore, #tpu.memory_space<semaphore_mem>>) src(%dma_wait3A_193 : memref<2000xi32, #tpu.memory_space<hbm>>) dst(%arg14 : memref<2000xi32, #tpu.memory_space<vmem>>)
        tpu.yield
      }) : () -> ()
      %run_scoped3A_180 = arith.constant 1 : i32
      "tpu.region"() ({
        %run_scoped3A_187 = tpu.sem_alloc : memref<!tpu.dma_semaphore, #tpu.memory_space<semaphore_mem>>
        %dma_start3A = tpu.memref_slice %arg2[%run_scoped3A_180, %add3A_179] : memref<2x1600000xi32, #tpu.memory_space<hbm>> -> memref<1x2000xi32, #tpu.memory_space<hbm>>
        %dma_start3A_188 = tpu.memref_squeeze %dma_start3A : memref<1x2000xi32, #tpu.memory_space<hbm>> -> memref<2000xi32, #tpu.memory_space<hbm>>
        %dma_start3A_189 = tpu.memref_slice %arg2[%run_scoped3A_180, %add3A_179] : memref<2x1600000xi32, #tpu.memory_space<hbm>> -> memref<1x2000xi32, #tpu.memory_space<hbm>>
        %dma_start3A_190 = tpu.memref_squeeze %dma_start3A_189 : memref<1x2000xi32, #tpu.memory_space<hbm>> -> memref<2000xi32, #tpu.memory_space<hbm>>
        tpu.enqueue_dma source(%dma_start3A_190 : memref<2000xi32, #tpu.memory_space<hbm>>) target(%arg15 : memref<2000xi32, #tpu.memory_space<vmem>>) target_semaphore(%run_scoped3A_187 : memref<!tpu.dma_semaphore, #tpu.memory_space<semaphore_mem>>)
        %dma_wait3A = tpu.memref_slice %arg2[%run_scoped3A_180, %add3A_179] : memref<2x1600000xi32, #tpu.memory_space<hbm>> -> memref<1x2000xi32, #tpu.memory_space<hbm>>
        %dma_wait3A_191 = tpu.memref_squeeze %dma_wait3A : memref<1x2000xi32, #tpu.memory_space<hbm>> -> memref<2000xi32, #tpu.memory_space<hbm>>
        %dma_wait3A_192 = tpu.memref_slice %arg2[%run_scoped3A_180, %add3A_179] : memref<2x1600000xi32, #tpu.memory_space<hbm>> -> memref<1x2000xi32, #tpu.memory_space<hbm>>
        %dma_wait3A_193 = tpu.memref_squeeze %dma_wait3A_192 : memref<1x2000xi32, #tpu.memory_space<hbm>> -> memref<2000xi32, #tpu.memory_space<hbm>>
        tpu.wait_dma2 semaphore(%run_scoped3A_187 : memref<!tpu.dma_semaphore, #tpu.memory_space<semaphore_mem>>) src(%dma_wait3A_193 : memref<2000xi32, #tpu.memory_space<hbm>>) dst(%arg15 : memref<2000xi32, #tpu.memory_space<vmem>>)
        tpu.yield
      }) : () -> ()
      %scan3A_181 = arith.constant 0 : i32
      %scan3A_182 = arith.constant 125 : i32
      %scan3A_183 = arith.addi %scan3A_181, %scan3A_182 : i32
      %scan3A_184 = arith.constant 1 : i32
      %scan3A_185 = scf.for %scan3A_187 = %scan3A_181 to %scan3A_183 step %scan3A_184 iter_args(%scan3A_188 = %scan3A_174) -> (i32)  : i32 {
        %mul3A_189 = arith.constant 16 : i32
        %mul3A_190 = arith.muli %scan3A_187, %mul3A_189 : i32
        %get3A_191 = arith.index_cast %mul3A_190 : i32 to index
        %get3A_192 = tpu.vector_load %arg15[%get3A_191] {strides = array<i32>} : memref<2000xi32, #tpu.memory_space<vmem>>, vector<16xi32>,
        %mul3A_193 = arith.constant 16 : i32
        %mul3A_194 = arith.muli %scan3A_187, %mul3A_193 : i32
        %get3A_195 = arith.index_cast %mul3A_194 : i32 to index
        %get3A_196 = tpu.vector_load %arg14[%get3A_195] {strides = array<i32>} : memref<2000xi32, #tpu.memory_space<vmem>>, vector<16xi32>,
        %gather3A = tpu.vector_load_idx %arg22[%get3A_192] : memref<100000xi32, #tpu.memory_space<vmem>>[vector<16xi32>], vector<16xi32>,
        %ge3A = arith.constant 0 : i32
        %ge3A_197 = vector.broadcast %ge3A : i32 to vector<16xi32>
        %ge3A_198 = arith.cmpi sge, %gather3A, %ge3A_197 : vector<16xi32>
        %swap3A_199 = arith.index_cast %scan3A_188 : i32 to index
        %swap3A_200 = tpu.vector_load %arg16[%swap3A_199] masked %ge3A_198 {strides = array<i32>} : memref<144xi32, #tpu.memory_space<vmem>>, vector<16xi32>, vector<16xi1>
        tpu.vector_store %arg16[%swap3A_199], %get3A_196 masked %ge3A_198 {strides = array<i32>} : memref<144xi32, #tpu.memory_space<vmem>>, vector<16xi32>, vector<16xi1>
        %swap3A_201 = arith.index_cast %scan3A_188 : i32 to index
        %swap3A_202 = tpu.vector_load %arg17[%swap3A_201] masked %ge3A_198 {strides = array<i32>} : memref<144xi32, #tpu.memory_space<vmem>>, vector<16xi32>, vector<16xi1>
        tpu.vector_store %arg17[%swap3A_201], %gather3A masked %ge3A_198 {strides = array<i32>} : memref<144xi32, #tpu.memory_space<vmem>>, vector<16xi32>, vector<16xi1>
        %jit3A = arith.constant 1 : i32
        %jit3A_203 = arith.constant 0 : i32
        %broadcast_in_dim3A_204 = vector.broadcast %jit3A : i32 to vector<16xi32>
        %broadcast_in_dim3A_205 = vector.broadcast %jit3A_203 : i32 to vector<16xi32>
        %select_n3A = arith.select %ge3A_198, %broadcast_in_dim3A_204, %broadcast_in_dim3A_205 : vector<16xi1>, vector<16xi32>
        %reduce_sum3A = arith.constant true
        %reduce_sum3A_206 = vector.broadcast %reduce_sum3A : i1 to vector<16xi1>
        %reduce_sum3A_207 = tpu.scan <sum>, %select_n3A masked %reduce_sum3A_206 : vector<16xi32>, vector<16xi1> -> vector<16xi32>
        %reduce_sum3A_208 = vector.extract %reduce_sum3A_207[15] : i32 from vector<16xi32>
        %add3A_209 = arith.addi %scan3A_188, %reduce_sum3A_208 : i32
        %ge3A_210 = arith.constant 128 : i32
        %ge3A_211 = arith.cmpi sge, %add3A_209, %ge3A_210 : i32
        %convert_element_type3A_212 = arith.extui %ge3A_211 : i1 to i32
        %cond3A_213 = arith.constant 0 : i32
        %cond3A_214 = arith.cmpi ne, %convert_element_type3A_212, %cond3A_213 : i32
        scf.if %cond3A_214 {
          "tpu.region"() ({
            %run_scoped3A_291 = tpu.sem_alloc : memref<!tpu.dma_semaphore, #tpu.memory_space<semaphore_mem>>
            %dma_start3A = arith.constant 0 : i32
            %dma_start3A_292 = arith.constant 0 : i32
            %dma_start3A_293 = tpu.memref_slice %arg5[%dma_start3A, %dma_start3A_292] : memref<100000x64xf32, #tpu.memory_space<hbm>> -> memref<100000x64xf32, #tpu.memory_space<hbm>>
            tpu.enqueue_indirect_dma source(%dma_start3A_293 : memref<100000x64xf32, #tpu.memory_space<hbm>>) target(%arg18 : memref<144x64xf32, #tpu.memory_space<vmem>>) offsets(%arg16 : memref<144xi32, #tpu.memory_space<vmem>>) semaphore(%run_scoped3A_291 : memref<!tpu.dma_semaphore, #tpu.memory_space<semaphore_mem>>)
            %dma_wait3A = arith.constant 0 : i32
            %dma_wait3A_294 = arith.constant 0 : i32
            %dma_wait3A_295 = tpu.memref_slice %arg5[%dma_wait3A, %dma_wait3A_294] : memref<100000x64xf32, #tpu.memory_space<hbm>> -> memref<100000x64xf32, #tpu.memory_space<hbm>>
            tpu.wait_indirect_dma semaphore(%run_scoped3A_291 : memref<!tpu.dma_semaphore, #tpu.memory_space<semaphore_mem>>) src(%dma_wait3A_295 : memref<100000x64xf32, #tpu.memory_space<hbm>>) dst(%arg18 : memref<144x64xf32, #tpu.memory_space<vmem>>)
            tpu.yield
          }) : () -> ()
          "tpu.region"() ({
            %run_scoped3A_291 = tpu.sem_alloc : memref<!tpu.dma_semaphore, #tpu.memory_space<semaphore_mem>>
            %dma_start3A = arith.constant 0 : i32
            %dma_start3A_292 = arith.constant 0 : i32
            %dma_start3A_293 = tpu.memref_slice %arg23[%dma_start3A, %dma_start3A_292] : memref<1032x64xf32, #tpu.memory_space<vmem_shared>> -> memref<1032x64xf32, #tpu.memory_space<vmem_shared>>
            tpu.enqueue_indirect_dma source(%arg18 : memref<144x64xf32, #tpu.memory_space<vmem>>) target(%dma_start3A_293 : memref<1032x64xf32, #tpu.memory_space<vmem_shared>>) offsets(%arg17 : memref<144xi32, #tpu.memory_space<vmem>>) semaphore(%run_scoped3A_291 : memref<!tpu.dma_semaphore, #tpu.memory_space<semaphore_mem>>) {add = true}
            %dma_wait3A = arith.constant 0 : i32
            %dma_wait3A_294 = arith.constant 0 : i32
            %dma_wait3A_295 = tpu.memref_slice %arg23[%dma_wait3A, %dma_wait3A_294] : memref<1032x64xf32, #tpu.memory_space<vmem_shared>> -> memref<1032x64xf32, #tpu.memory_space<vmem_shared>>
            tpu.wait_indirect_dma semaphore(%run_scoped3A_291 : memref<!tpu.dma_semaphore, #tpu.memory_space<semaphore_mem>>) src(%arg18 : memref<144x64xf32, #tpu.memory_space<vmem>>) dst(%dma_wait3A_295 : memref<1032x64xf32, #tpu.memory_space<vmem_shared>>)
            tpu.yield
          }) : () -> ()
          %broadcast_in_dim3A_219 = arith.constant 0 : i32
          %broadcast_in_dim3A_220 = vector.broadcast %broadcast_in_dim3A_219 : i32 to vector<16xi32>
          %swap3A_221 = arith.constant 0 : index
          %swap3A_222 = tpu.vector_load %arg16[%swap3A_221] {strides = array<i32>} : memref<144xi32, #tpu.memory_space<vmem>>, vector<16xi32>,
          tpu.vector_store %arg16[%swap3A_221], %broadcast_in_dim3A_220 {strides = array<i32>} : memref<144xi32, #tpu.memory_space<vmem>>, vector<16xi32>,
          %broadcast_in_dim3A_223 = arith.constant 1024 : i32
          %broadcast_in_dim3A_224 = vector.broadcast %broadcast_in_dim3A_223 : i32 to vector<16xi32>
          %swap3A_225 = arith.constant 0 : index
          %swap3A_226 = tpu.vector_load %arg17[%swap3A_225] {strides = array<i32>} : memref<144xi32, #tpu.memory_space<vmem>>, vector<16xi32>,
          tpu.vector_store %arg17[%swap3A_225], %broadcast_in_dim3A_224 {strides = array<i32>} : memref<144xi32, #tpu.memory_space<vmem>>, vector<16xi32>,
          %broadcast_in_dim3A_227 = arith.constant 0 : i32
          %broadcast_in_dim3A_228 = vector.broadcast %broadcast_in_dim3A_227 : i32 to vector<16xi32>
          %swap3A_229 = arith.constant 16 : index
          %swap3A_230 = tpu.vector_load %arg16[%swap3A_229] {strides = array<i32>} : memref<144xi32, #tpu.memory_space<vmem>>, vector<16xi32>,
          tpu.vector_store %arg16[%swap3A_229], %broadcast_in_dim3A_228 {strides = array<i32>} : memref<144xi32, #tpu.memory_space<vmem>>, vector<16xi32>,
          %broadcast_in_dim3A_231 = arith.constant 1024 : i32
          %broadcast_in_dim3A_232 = vector.broadcast %broadcast_in_dim3A_231 : i32 to vector<16xi32>
          %swap3A_233 = arith.constant 16 : index
          %swap3A_234 = tpu.vector_load %arg17[%swap3A_233] {strides = array<i32>} : memref<144xi32, #tpu.memory_space<vmem>>, vector<16xi32>,
          tpu.vector_store %arg17[%swap3A_233], %broadcast_in_dim3A_232 {strides = array<i32>} : memref<144xi32, #tpu.memory_space<vmem>>, vector<16xi32>,
          %broadcast_in_dim3A_235 = arith.constant 0 : i32
          %broadcast_in_dim3A_236 = vector.broadcast %broadcast_in_dim3A_235 : i32 to vector<16xi32>
          %swap3A_237 = arith.constant 32 : index
          %swap3A_238 = tpu.vector_load %arg16[%swap3A_237] {strides = array<i32>} : memref<144xi32, #tpu.memory_space<vmem>>, vector<16xi32>,
          tpu.vector_store %arg16[%swap3A_237], %broadcast_in_dim3A_236 {strides = array<i32>} : memref<144xi32, #tpu.memory_space<vmem>>, vector<16xi32>,
          %broadcast_in_dim3A_239 = arith.constant 1024 : i32
          %broadcast_in_dim3A_240 = vector.broadcast %broadcast_in_dim3A_239 : i32 to vector<16xi32>
          %swap3A_241 = arith.constant 32 : index
          %swap3A_242 = tpu.vector_load %arg17[%swap3A_241] {strides = array<i32>} : memref<144xi32, #tpu.memory_space<vmem>>, vector<16xi32>,
          tpu.vector_store %arg17[%swap3A_241], %broadcast_in_dim3A_240 {strides = array<i32>} : memref<144xi32, #tpu.memory_space<vmem>>, vector<16xi32>,
          %broadcast_in_dim3A_243 = arith.constant 0 : i32
          %broadcast_in_dim3A_244 = vector.broadcast %broadcast_in_dim3A_243 : i32 to vector<16xi32>
          %swap3A_245 = arith.constant 48 : index
          %swap3A_246 = tpu.vector_load %arg16[%swap3A_245] {strides = array<i32>} : memref<144xi32, #tpu.memory_space<vmem>>, vector<16xi32>,
          tpu.vector_store %arg16[%swap3A_245], %broadcast_in_dim3A_244 {strides = array<i32>} : memref<144xi32, #tpu.memory_space<vmem>>, vector<16xi32>,
          %broadcast_in_dim3A_247 = arith.constant 1024 : i32
          %broadcast_in_dim3A_248 = vector.broadcast %broadcast_in_dim3A_247 : i32 to vector<16xi32>
          %swap3A_249 = arith.constant 48 : index
          %swap3A_250 = tpu.vector_load %arg17[%swap3A_249] {strides = array<i32>} : memref<144xi32, #tpu.memory_space<vmem>>, vector<16xi32>,
          tpu.vector_store %arg17[%swap3A_249], %broadcast_in_dim3A_248 {strides = array<i32>} : memref<144xi32, #tpu.memory_space<vmem>>, vector<16xi32>,
          %broadcast_in_dim3A_251 = arith.constant 0 : i32
          %broadcast_in_dim3A_252 = vector.broadcast %broadcast_in_dim3A_251 : i32 to vector<16xi32>
          %swap3A_253 = arith.constant 64 : index
          %swap3A_254 = tpu.vector_load %arg16[%swap3A_253] {strides = array<i32>} : memref<144xi32, #tpu.memory_space<vmem>>, vector<16xi32>,
          tpu.vector_store %arg16[%swap3A_253], %broadcast_in_dim3A_252 {strides = array<i32>} : memref<144xi32, #tpu.memory_space<vmem>>, vector<16xi32>,
          %broadcast_in_dim3A_255 = arith.constant 1024 : i32
          %broadcast_in_dim3A_256 = vector.broadcast %broadcast_in_dim3A_255 : i32 to vector<16xi32>
          %swap3A_257 = arith.constant 64 : index
          %swap3A_258 = tpu.vector_load %arg17[%swap3A_257] {strides = array<i32>} : memref<144xi32, #tpu.memory_space<vmem>>, vector<16xi32>,
          tpu.vector_store %arg17[%swap3A_257], %broadcast_in_dim3A_256 {strides = array<i32>} : memref<144xi32, #tpu.memory_space<vmem>>, vector<16xi32>,
          %broadcast_in_dim3A_259 = arith.constant 0 : i32
          %broadcast_in_dim3A_260 = vector.broadcast %broadcast_in_dim3A_259 : i32 to vector<16xi32>
          %swap3A_261 = arith.constant 80 : index
          %swap3A_262 = tpu.vector_load %arg16[%swap3A_261] {strides = array<i32>} : memref<144xi32, #tpu.memory_space<vmem>>, vector<16xi32>,
          tpu.vector_store %arg16[%swap3A_261], %broadcast_in_dim3A_260 {strides = array<i32>} : memref<144xi32, #tpu.memory_space<vmem>>, vector<16xi32>,
          %broadcast_in_dim3A_263 = arith.constant 1024 : i32
          %broadcast_in_dim3A_264 = vector.broadcast %broadcast_in_dim3A_263 : i32 to vector<16xi32>
          %swap3A_265 = arith.constant 80 : index
          %swap3A_266 = tpu.vector_load %arg17[%swap3A_265] {strides = array<i32>} : memref<144xi32, #tpu.memory_space<vmem>>, vector<16xi32>,
          tpu.vector_store %arg17[%swap3A_265], %broadcast_in_dim3A_264 {strides = array<i32>} : memref<144xi32, #tpu.memory_space<vmem>>, vector<16xi32>,
          %broadcast_in_dim3A_267 = arith.constant 0 : i32
          %broadcast_in_dim3A_268 = vector.broadcast %broadcast_in_dim3A_267 : i32 to vector<16xi32>
          %swap3A_269 = arith.constant 96 : index
          %swap3A_270 = tpu.vector_load %arg16[%swap3A_269] {strides = array<i32>} : memref<144xi32, #tpu.memory_space<vmem>>, vector<16xi32>,
          tpu.vector_store %arg16[%swap3A_269], %broadcast_in_dim3A_268 {strides = array<i32>} : memref<144xi32, #tpu.memory_space<vmem>>, vector<16xi32>,
          %broadcast_in_dim3A_271 = arith.constant 1024 : i32
          %broadcast_in_dim3A_272 = vector.broadcast %broadcast_in_dim3A_271 : i32 to vector<16xi32>
          %swap3A_273 = arith.constant 96 : index
          %swap3A_274 = tpu.vector_load %arg17[%swap3A_273] {strides = array<i32>} : memref<144xi32, #tpu.memory_space<vmem>>, vector<16xi32>,
          tpu.vector_store %arg17[%swap3A_273], %broadcast_in_dim3A_272 {strides = array<i32>} : memref<144xi32, #tpu.memory_space<vmem>>, vector<16xi32>,
          %broadcast_in_dim3A_275 = arith.constant 0 : i32
          %broadcast_in_dim3A_276 = vector.broadcast %broadcast_in_dim3A_275 : i32 to vector<16xi32>
          %swap3A_277 = arith.constant 112 : index
          %swap3A_278 = tpu.vector_load %arg16[%swap3A_277] {strides = array<i32>} : memref<144xi32, #tpu.memory_space<vmem>>, vector<16xi32>,
          tpu.vector_store %arg16[%swap3A_277], %broadcast_in_dim3A_276 {strides = array<i32>} : memref<144xi32, #tpu.memory_space<vmem>>, vector<16xi32>,
          %broadcast_in_dim3A_279 = arith.constant 1024 : i32
          %broadcast_in_dim3A_280 = vector.broadcast %broadcast_in_dim3A_279 : i32 to vector<16xi32>
          %swap3A_281 = arith.constant 112 : index
          %swap3A_282 = tpu.vector_load %arg17[%swap3A_281] {strides = array<i32>} : memref<144xi32, #tpu.memory_space<vmem>>, vector<16xi32>,
          tpu.vector_store %arg17[%swap3A_281], %broadcast_in_dim3A_280 {strides = array<i32>} : memref<144xi32, #tpu.memory_space<vmem>>, vector<16xi32>,
          %broadcast_in_dim3A_283 = arith.constant 0 : i32
          %broadcast_in_dim3A_284 = vector.broadcast %broadcast_in_dim3A_283 : i32 to vector<16xi32>
          %swap3A_285 = arith.constant 128 : index
          %swap3A_286 = tpu.vector_load %arg16[%swap3A_285] {strides = array<i32>} : memref<144xi32, #tpu.memory_space<vmem>>, vector<16xi32>,
          tpu.vector_store %arg16[%swap3A_285], %broadcast_in_dim3A_284 {strides = array<i32>} : memref<144xi32, #tpu.memory_space<vmem>>, vector<16xi32>,
          %broadcast_in_dim3A_287 = arith.constant 1024 : i32
          %broadcast_in_dim3A_288 = vector.broadcast %broadcast_in_dim3A_287 : i32 to vector<16xi32>
          %swap3A_289 = arith.constant 128 : index
          %swap3A_290 = tpu.vector_load %arg17[%swap3A_289] {strides = array<i32>} : memref<144xi32, #tpu.memory_space<vmem>>, vector<16xi32>,
          tpu.vector_store %arg17[%swap3A_289], %broadcast_in_dim3A_288 {strides = array<i32>} : memref<144xi32, #tpu.memory_space<vmem>>, vector<16xi32>,
        } else {
        }
        %ge3A_215 = arith.constant 128 : i32
        %ge3A_216 = arith.cmpi sge, %add3A_209, %ge3A_215 : i32
        %jit3A_217 = arith.constant 0 : i32
        %select_n3A_218 = arith.select %ge3A_216, %jit3A_217, %add3A_209 : i32
        scf.yield %select_n3A_218 : i32
      }
      %scan3A_186 = arith.constant 125 : i32
      scf.yield %scan3A_185 : i32
    }
    %scan3A_83 = arith.constant 25 : i32
    "tpu.region"() ({
      %run_scoped3A = tpu.sem_alloc : memref<!tpu.dma_semaphore, #tpu.memory_space<semaphore_mem>>
      %dma_start3A = arith.constant 0 : i32
      %dma_start3A_173 = arith.constant 0 : i32
      %dma_start3A_174 = tpu.memref_slice %arg5[%dma_start3A, %dma_start3A_173] : memref<100000x64xf32, #tpu.memory_space<hbm>> -> memref<100000x64xf32, #tpu.memory_space<hbm>>
      tpu.enqueue_indirect_dma source(%dma_start3A_174 : memref<100000x64xf32, #tpu.memory_space<hbm>>) target(%arg18 : memref<144x64xf32, #tpu.memory_space<vmem>>) offsets(%arg16 : memref<144xi32, #tpu.memory_space<vmem>>) semaphore(%run_scoped3A : memref<!tpu.dma_semaphore, #tpu.memory_space<semaphore_mem>>)
      %dma_wait3A = arith.constant 0 : i32
      %dma_wait3A_175 = arith.constant 0 : i32
      %dma_wait3A_176 = tpu.memref_slice %arg5[%dma_wait3A, %dma_wait3A_175] : memref<100000x64xf32, #tpu.memory_space<hbm>> -> memref<100000x64xf32, #tpu.memory_space<hbm>>
      tpu.wait_indirect_dma semaphore(%run_scoped3A : memref<!tpu.dma_semaphore, #tpu.memory_space<semaphore_mem>>) src(%dma_wait3A_176 : memref<100000x64xf32, #tpu.memory_space<hbm>>) dst(%arg18 : memref<144x64xf32, #tpu.memory_space<vmem>>)
      tpu.yield
    }) : () -> ()
    "tpu.region"() ({
      %run_scoped3A = tpu.sem_alloc : memref<!tpu.dma_semaphore, #tpu.memory_space<semaphore_mem>>
      %dma_start3A = arith.constant 0 : i32
      %dma_start3A_173 = arith.constant 0 : i32
      %dma_start3A_174 = tpu.memref_slice %arg23[%dma_start3A, %dma_start3A_173] : memref<1032x64xf32, #tpu.memory_space<vmem_shared>> -> memref<1032x64xf32, #tpu.memory_space<vmem_shared>>
      tpu.enqueue_indirect_dma source(%arg18 : memref<144x64xf32, #tpu.memory_space<vmem>>) target(%dma_start3A_174 : memref<1032x64xf32, #tpu.memory_space<vmem_shared>>) offsets(%arg17 : memref<144xi32, #tpu.memory_space<vmem>>) semaphore(%run_scoped3A : memref<!tpu.dma_semaphore, #tpu.memory_space<semaphore_mem>>) {add = true}
      %dma_wait3A = arith.constant 0 : i32
      %dma_wait3A_175 = arith.constant 0 : i32
      %dma_wait3A_176 = tpu.memref_slice %arg23[%dma_wait3A, %dma_wait3A_175] : memref<1032x64xf32, #tpu.memory_space<vmem_shared>> -> memref<1032x64xf32, #tpu.memory_space<vmem_shared>>
      tpu.wait_indirect_dma semaphore(%run_scoped3A : memref<!tpu.dma_semaphore, #tpu.memory_space<semaphore_mem>>) src(%arg18 : memref<144x64xf32, #tpu.memory_space<vmem>>) dst(%dma_wait3A_176 : memref<1032x64xf32, #tpu.memory_space<vmem_shared>>)
      tpu.yield
    }) : () -> ()
    %broadcast_in_dim3A_84 = arith.constant 0 : i32
    %broadcast_in_dim3A_85 = vector.broadcast %broadcast_in_dim3A_84 : i32 to vector<16xi32>
    %swap3A_86 = arith.constant 0 : index
    %swap3A_87 = tpu.vector_load %arg16[%swap3A_86] {strides = array<i32>} : memref<144xi32, #tpu.memory_space<vmem>>, vector<16xi32>,
    tpu.vector_store %arg16[%swap3A_86], %broadcast_in_dim3A_85 {strides = array<i32>} : memref<144xi32, #tpu.memory_space<vmem>>, vector<16xi32>,
    %broadcast_in_dim3A_88 = arith.constant 1024 : i32
    %broadcast_in_dim3A_89 = vector.broadcast %broadcast_in_dim3A_88 : i32 to vector<16xi32>
    %swap3A_90 = arith.constant 0 : index
    %swap3A_91 = tpu.vector_load %arg17[%swap3A_90] {strides = array<i32>} : memref<144xi32, #tpu.memory_space<vmem>>, vector<16xi32>,
    tpu.vector_store %arg17[%swap3A_90], %broadcast_in_dim3A_89 {strides = array<i32>} : memref<144xi32, #tpu.memory_space<vmem>>, vector<16xi32>,
    %broadcast_in_dim3A_92 = arith.constant 0 : i32
    %broadcast_in_dim3A_93 = vector.broadcast %broadcast_in_dim3A_92 : i32 to vector<16xi32>
    %swap3A_94 = arith.constant 16 : index
    %swap3A_95 = tpu.vector_load %arg16[%swap3A_94] {strides = array<i32>} : memref<144xi32, #tpu.memory_space<vmem>>, vector<16xi32>,
    tpu.vector_store %arg16[%swap3A_94], %broadcast_in_dim3A_93 {strides = array<i32>} : memref<144xi32, #tpu.memory_space<vmem>>, vector<16xi32>,
    %broadcast_in_dim3A_96 = arith.constant 1024 : i32
    %broadcast_in_dim3A_97 = vector.broadcast %broadcast_in_dim3A_96 : i32 to vector<16xi32>
    %swap3A_98 = arith.constant 16 : index
    %swap3A_99 = tpu.vector_load %arg17[%swap3A_98] {strides = array<i32>} : memref<144xi32, #tpu.memory_space<vmem>>, vector<16xi32>,
    tpu.vector_store %arg17[%swap3A_98], %broadcast_in_dim3A_97 {strides = array<i32>} : memref<144xi32, #tpu.memory_space<vmem>>, vector<16xi32>,
    %broadcast_in_dim3A_100 = arith.constant 0 : i32
    %broadcast_in_dim3A_101 = vector.broadcast %broadcast_in_dim3A_100 : i32 to vector<16xi32>
    %swap3A_102 = arith.constant 32 : index
    %swap3A_103 = tpu.vector_load %arg16[%swap3A_102] {strides = array<i32>} : memref<144xi32, #tpu.memory_space<vmem>>, vector<16xi32>,
    tpu.vector_store %arg16[%swap3A_102], %broadcast_in_dim3A_101 {strides = array<i32>} : memref<144xi32, #tpu.memory_space<vmem>>, vector<16xi32>,
    %broadcast_in_dim3A_104 = arith.constant 1024 : i32
    %broadcast_in_dim3A_105 = vector.broadcast %broadcast_in_dim3A_104 : i32 to vector<16xi32>
    %swap3A_106 = arith.constant 32 : index
    %swap3A_107 = tpu.vector_load %arg17[%swap3A_106] {strides = array<i32>} : memref<144xi32, #tpu.memory_space<vmem>>, vector<16xi32>,
    tpu.vector_store %arg17[%swap3A_106], %broadcast_in_dim3A_105 {strides = array<i32>} : memref<144xi32, #tpu.memory_space<vmem>>, vector<16xi32>,
    %broadcast_in_dim3A_108 = arith.constant 0 : i32
    %broadcast_in_dim3A_109 = vector.broadcast %broadcast_in_dim3A_108 : i32 to vector<16xi32>
    %swap3A_110 = arith.constant 48 : index
    %swap3A_111 = tpu.vector_load %arg16[%swap3A_110] {strides = array<i32>} : memref<144xi32, #tpu.memory_space<vmem>>, vector<16xi32>,
    tpu.vector_store %arg16[%swap3A_110], %broadcast_in_dim3A_109 {strides = array<i32>} : memref<144xi32, #tpu.memory_space<vmem>>, vector<16xi32>,
    %broadcast_in_dim3A_112 = arith.constant 1024 : i32
    %broadcast_in_dim3A_113 = vector.broadcast %broadcast_in_dim3A_112 : i32 to vector<16xi32>
    %swap3A_114 = arith.constant 48 : index
    %swap3A_115 = tpu.vector_load %arg17[%swap3A_114] {strides = array<i32>} : memref<144xi32, #tpu.memory_space<vmem>>, vector<16xi32>,
    tpu.vector_store %arg17[%swap3A_114], %broadcast_in_dim3A_113 {strides = array<i32>} : memref<144xi32, #tpu.memory_space<vmem>>, vector<16xi32>,
    %broadcast_in_dim3A_116 = arith.constant 0 : i32
    %broadcast_in_dim3A_117 = vector.broadcast %broadcast_in_dim3A_116 : i32 to vector<16xi32>
    %swap3A_118 = arith.constant 64 : index
    %swap3A_119 = tpu.vector_load %arg16[%swap3A_118] {strides = array<i32>} : memref<144xi32, #tpu.memory_space<vmem>>, vector<16xi32>,
    tpu.vector_store %arg16[%swap3A_118], %broadcast_in_dim3A_117 {strides = array<i32>} : memref<144xi32, #tpu.memory_space<vmem>>, vector<16xi32>,
    %broadcast_in_dim3A_120 = arith.constant 1024 : i32
    %broadcast_in_dim3A_121 = vector.broadcast %broadcast_in_dim3A_120 : i32 to vector<16xi32>
    %swap3A_122 = arith.constant 64 : index
    %swap3A_123 = tpu.vector_load %arg17[%swap3A_122] {strides = array<i32>} : memref<144xi32, #tpu.memory_space<vmem>>, vector<16xi32>,
    tpu.vector_store %arg17[%swap3A_122], %broadcast_in_dim3A_121 {strides = array<i32>} : memref<144xi32, #tpu.memory_space<vmem>>, vector<16xi32>,
    %broadcast_in_dim3A_124 = arith.constant 0 : i32
    %broadcast_in_dim3A_125 = vector.broadcast %broadcast_in_dim3A_124 : i32 to vector<16xi32>
    %swap3A_126 = arith.constant 80 : index
    %swap3A_127 = tpu.vector_load %arg16[%swap3A_126] {strides = array<i32>} : memref<144xi32, #tpu.memory_space<vmem>>, vector<16xi32>,
    tpu.vector_store %arg16[%swap3A_126], %broadcast_in_dim3A_125 {strides = array<i32>} : memref<144xi32, #tpu.memory_space<vmem>>, vector<16xi32>,
    %broadcast_in_dim3A_128 = arith.constant 1024 : i32
    %broadcast_in_dim3A_129 = vector.broadcast %broadcast_in_dim3A_128 : i32 to vector<16xi32>
    %swap3A_130 = arith.constant 80 : index
    %swap3A_131 = tpu.vector_load %arg17[%swap3A_130] {strides = array<i32>} : memref<144xi32, #tpu.memory_space<vmem>>, vector<16xi32>,
    tpu.vector_store %arg17[%swap3A_130], %broadcast_in_dim3A_129 {strides = array<i32>} : memref<144xi32, #tpu.memory_space<vmem>>, vector<16xi32>,
    %broadcast_in_dim3A_132 = arith.constant 0 : i32
    %broadcast_in_dim3A_133 = vector.broadcast %broadcast_in_dim3A_132 : i32 to vector<16xi32>
    %swap3A_134 = arith.constant 96 : index
    %swap3A_135 = tpu.vector_load %arg16[%swap3A_134] {strides = array<i32>} : memref<144xi32, #tpu.memory_space<vmem>>, vector<16xi32>,
    tpu.vector_store %arg16[%swap3A_134], %broadcast_in_dim3A_133 {strides = array<i32>} : memref<144xi32, #tpu.memory_space<vmem>>, vector<16xi32>,
    %broadcast_in_dim3A_136 = arith.constant 1024 : i32
    %broadcast_in_dim3A_137 = vector.broadcast %broadcast_in_dim3A_136 : i32 to vector<16xi32>
    %swap3A_138 = arith.constant 96 : index
    %swap3A_139 = tpu.vector_load %arg17[%swap3A_138] {strides = array<i32>} : memref<144xi32, #tpu.memory_space<vmem>>, vector<16xi32>,
    tpu.vector_store %arg17[%swap3A_138], %broadcast_in_dim3A_137 {strides = array<i32>} : memref<144xi32, #tpu.memory_space<vmem>>, vector<16xi32>,
    %broadcast_in_dim3A_140 = arith.constant 0 : i32
    %broadcast_in_dim3A_141 = vector.broadcast %broadcast_in_dim3A_140 : i32 to vector<16xi32>
    %swap3A_142 = arith.constant 112 : index
    %swap3A_143 = tpu.vector_load %arg16[%swap3A_142] {strides = array<i32>} : memref<144xi32, #tpu.memory_space<vmem>>, vector<16xi32>,
    tpu.vector_store %arg16[%swap3A_142], %broadcast_in_dim3A_141 {strides = array<i32>} : memref<144xi32, #tpu.memory_space<vmem>>, vector<16xi32>,
    %broadcast_in_dim3A_144 = arith.constant 1024 : i32
    %broadcast_in_dim3A_145 = vector.broadcast %broadcast_in_dim3A_144 : i32 to vector<16xi32>
    %swap3A_146 = arith.constant 112 : index
    %swap3A_147 = tpu.vector_load %arg17[%swap3A_146] {strides = array<i32>} : memref<144xi32, #tpu.memory_space<vmem>>, vector<16xi32>,
    tpu.vector_store %arg17[%swap3A_146], %broadcast_in_dim3A_145 {strides = array<i32>} : memref<144xi32, #tpu.memory_space<vmem>>, vector<16xi32>,
    %broadcast_in_dim3A_148 = arith.constant 0 : i32
    %broadcast_in_dim3A_149 = vector.broadcast %broadcast_in_dim3A_148 : i32 to vector<16xi32>
    %swap3A_150 = arith.constant 128 : index
    %swap3A_151 = tpu.vector_load %arg16[%swap3A_150] {strides = array<i32>} : memref<144xi32, #tpu.memory_space<vmem>>, vector<16xi32>,
    tpu.vector_store %arg16[%swap3A_150], %broadcast_in_dim3A_149 {strides = array<i32>} : memref<144xi32, #tpu.memory_space<vmem>>, vector<16xi32>,
    %broadcast_in_dim3A_152 = arith.constant 1024 : i32
    %broadcast_in_dim3A_153 = vector.broadcast %broadcast_in_dim3A_152 : i32 to vector<16xi32>
    %swap3A_154 = arith.constant 128 : index
    %swap3A_155 = tpu.vector_load %arg17[%swap3A_154] {strides = array<i32>} : memref<144xi32, #tpu.memory_space<vmem>>, vector<16xi32>,
    tpu.vector_store %arg17[%swap3A_154], %broadcast_in_dim3A_153 {strides = array<i32>} : memref<144xi32, #tpu.memory_space<vmem>>, vector<16xi32>,
    %mul3A_156 = arith.constant 32 : i32
    %mul3A_157 = arith.muli %add3A, %mul3A_156 : i32
    %get3A = arith.index_cast %mul3A_157 : i32 to index
    %get3A_158 = tpu.vector_load %arg12[%get3A] {strides = array<i32>} : memref<1024xi32, #tpu.memory_space<vmem>>, vector<16xi32>,
    %swap3A_159 = arith.constant 0 : index
    %swap3A_160 = tpu.vector_load %arg19[%swap3A_159] {strides = array<i32>} : memref<32xi32, #tpu.memory_space<vmem>>, vector<16xi32>,
    tpu.vector_store %arg19[%swap3A_159], %get3A_158 {strides = array<i32>} : memref<32xi32, #tpu.memory_space<vmem>>, vector<16xi32>,
    %add3A_161 = arith.constant 16 : i32
    %add3A_162 = arith.addi %mul3A_157, %add3A_161 : i32
    %get3A_163 = arith.index_cast %add3A_162 : i32 to index
    %get3A_164 = tpu.vector_load %arg12[%get3A_163] {strides = array<i32>} : memref<1024xi32, #tpu.memory_space<vmem>>, vector<16xi32>,
    %swap3A_165 = arith.constant 16 : index
    %swap3A_166 = tpu.vector_load %arg19[%swap3A_165] {strides = array<i32>} : memref<32xi32, #tpu.memory_space<vmem>>, vector<16xi32>,
    tpu.vector_store %arg19[%swap3A_165], %get3A_164 {strides = array<i32>} : memref<32xi32, #tpu.memory_space<vmem>>, vector<16xi32>,
    "tpu.region"() ({
      %run_scoped3A = tpu.sem_alloc : memref<!tpu.dma_semaphore, #tpu.memory_space<semaphore_mem>>
      %dma_start3A = arith.constant 0 : i32
      %dma_start3A_173 = arith.constant 0 : i32
      %dma_start3A_174 = tpu.memref_slice %arg5[%dma_start3A, %dma_start3A_173] : memref<100000x64xf32, #tpu.memory_space<hbm>> -> memref<100000x64xf32, #tpu.memory_space<hbm>>
      tpu.enqueue_indirect_dma source(%dma_start3A_174 : memref<100000x64xf32, #tpu.memory_space<hbm>>) target(%arg20 : memref<32x64xf32, #tpu.memory_space<vmem>>) offsets(%arg19 : memref<32xi32, #tpu.memory_space<vmem>>) semaphore(%run_scoped3A : memref<!tpu.dma_semaphore, #tpu.memory_space<semaphore_mem>>)
      %dma_wait3A = arith.constant 0 : i32
      %dma_wait3A_175 = arith.constant 0 : i32
      %dma_wait3A_176 = tpu.memref_slice %arg5[%dma_wait3A, %dma_wait3A_175] : memref<100000x64xf32, #tpu.memory_space<hbm>> -> memref<100000x64xf32, #tpu.memory_space<hbm>>
      tpu.wait_indirect_dma semaphore(%run_scoped3A : memref<!tpu.dma_semaphore, #tpu.memory_space<semaphore_mem>>) src(%dma_wait3A_176 : memref<100000x64xf32, #tpu.memory_space<hbm>>) dst(%arg20 : memref<32x64xf32, #tpu.memory_space<vmem>>)
      tpu.yield
    }) : () -> ()
    "tpu.region"() ({
      %run_scoped3A = tpu.sem_alloc : memref<!tpu.dma_semaphore, #tpu.memory_space<semaphore_mem>>
      %dma_start3A = arith.constant 0 : i32
      %dma_start3A_173 = arith.constant 0 : i32
      %dma_start3A_174 = tpu.memref_slice %arg6[%dma_start3A, %dma_start3A_173] : memref<100000x16xf32, #tpu.memory_space<hbm>> -> memref<100000x16xf32, #tpu.memory_space<hbm>>
      tpu.enqueue_indirect_dma source(%dma_start3A_174 : memref<100000x16xf32, #tpu.memory_space<hbm>>) target(%arg21 : memref<32x16xf32, #tpu.memory_space<vmem>>) offsets(%arg19 : memref<32xi32, #tpu.memory_space<vmem>>) semaphore(%run_scoped3A : memref<!tpu.dma_semaphore, #tpu.memory_space<semaphore_mem>>)
      %dma_wait3A = arith.constant 0 : i32
      %dma_wait3A_175 = arith.constant 0 : i32
      %dma_wait3A_176 = tpu.memref_slice %arg6[%dma_wait3A, %dma_wait3A_175] : memref<100000x16xf32, #tpu.memory_space<hbm>> -> memref<100000x16xf32, #tpu.memory_space<hbm>>
      tpu.wait_indirect_dma semaphore(%run_scoped3A : memref<!tpu.dma_semaphore, #tpu.memory_space<semaphore_mem>>) src(%dma_wait3A_176 : memref<100000x16xf32, #tpu.memory_space<hbm>>) dst(%arg21 : memref<32x16xf32, #tpu.memory_space<vmem>>)
      tpu.yield
    }) : () -> ()
    "tpu.region"() ({
      %run_scoped3A = tpu.sem_alloc : memref<!tpu.dma_semaphore, #tpu.memory_space<semaphore_mem>>
      %dma_start3A = arith.constant 0 : i32
      %dma_start3A_173 = tpu.memref_slice %arg10[%mul3A_157, %dma_start3A] : memref<1024x64xf32, #tpu.memory_space<hbm>> -> memref<32x64xf32, #tpu.memory_space<hbm>>
      %dma_start3A_174 = arith.constant 0 : i32
      %dma_start3A_175 = tpu.memref_slice %arg10[%mul3A_157, %dma_start3A_174] : memref<1024x64xf32, #tpu.memory_space<hbm>> -> memref<32x64xf32, #tpu.memory_space<hbm>>
      tpu.enqueue_dma source(%arg20 : memref<32x64xf32, #tpu.memory_space<vmem>>) target(%dma_start3A_175 : memref<32x64xf32, #tpu.memory_space<hbm>>) target_semaphore(%run_scoped3A : memref<!tpu.dma_semaphore, #tpu.memory_space<semaphore_mem>>)
      %dma_wait3A = arith.constant 0 : i32
      %dma_wait3A_176 = tpu.memref_slice %arg10[%mul3A_157, %dma_wait3A] : memref<1024x64xf32, #tpu.memory_space<hbm>> -> memref<32x64xf32, #tpu.memory_space<hbm>>
      %dma_wait3A_177 = arith.constant 0 : i32
      %dma_wait3A_178 = tpu.memref_slice %arg10[%mul3A_157, %dma_wait3A_177] : memref<1024x64xf32, #tpu.memory_space<hbm>> -> memref<32x64xf32, #tpu.memory_space<hbm>>
      tpu.wait_dma2 semaphore(%run_scoped3A : memref<!tpu.dma_semaphore, #tpu.memory_space<semaphore_mem>>) src(%arg20 : memref<32x64xf32, #tpu.memory_space<vmem>>) dst(%dma_wait3A_178 : memref<32x64xf32, #tpu.memory_space<hbm>>)
      tpu.yield
    }) : () -> ()
    "tpu.region"() ({
      %run_scoped3A = tpu.sem_alloc : memref<!tpu.dma_semaphore, #tpu.memory_space<semaphore_mem>>
      %dma_start3A = arith.constant 0 : i32
      %dma_start3A_173 = tpu.memref_slice %arg11[%mul3A_157, %dma_start3A] : memref<1024x16xf32, #tpu.memory_space<hbm>> -> memref<32x16xf32, #tpu.memory_space<hbm>>
      %dma_start3A_174 = arith.constant 0 : i32
      %dma_start3A_175 = tpu.memref_slice %arg11[%mul3A_157, %dma_start3A_174] : memref<1024x16xf32, #tpu.memory_space<hbm>> -> memref<32x16xf32, #tpu.memory_space<hbm>>
      tpu.enqueue_dma source(%arg21 : memref<32x16xf32, #tpu.memory_space<vmem>>) target(%dma_start3A_175 : memref<32x16xf32, #tpu.memory_space<hbm>>) target_semaphore(%run_scoped3A : memref<!tpu.dma_semaphore, #tpu.memory_space<semaphore_mem>>)
      %dma_wait3A = arith.constant 0 : i32
      %dma_wait3A_176 = tpu.memref_slice %arg11[%mul3A_157, %dma_wait3A] : memref<1024x16xf32, #tpu.memory_space<hbm>> -> memref<32x16xf32, #tpu.memory_space<hbm>>
      %dma_wait3A_177 = arith.constant 0 : i32
      %dma_wait3A_178 = tpu.memref_slice %arg11[%mul3A_157, %dma_wait3A_177] : memref<1024x16xf32, #tpu.memory_space<hbm>> -> memref<32x16xf32, #tpu.memory_space<hbm>>
      tpu.wait_dma2 semaphore(%run_scoped3A : memref<!tpu.dma_semaphore, #tpu.memory_space<semaphore_mem>>) src(%arg21 : memref<32x16xf32, #tpu.memory_space<vmem>>) dst(%dma_wait3A_178 : memref<32x16xf32, #tpu.memory_space<hbm>>)
      tpu.yield
    }) : () -> ()
    %barrier3A_167 = arith.constant 0 : index
    tpu.barrier barrier_id(%barrier3A_167)
    %eq3A_168 = arith.constant 0 : i32
    %eq3A_169 = arith.cmpi eq, %arg1, %eq3A_168 : i32
    %convert_element_type3A_170 = arith.extui %eq3A_169 : i1 to i32
    %cond3A_171 = arith.constant 0 : i32
    %cond3A_172 = arith.cmpi ne, %convert_element_type3A_170, %cond3A_171 : i32
    scf.if %cond3A_172 {
      "tpu.region"() ({
        %run_scoped3A = tpu.sem_alloc : memref<!tpu.dma_semaphore, #tpu.memory_space<semaphore_mem>>
        %dma_start3A = arith.constant 0 : i32
        %dma_start3A_173 = arith.constant 0 : i32
        %dma_start3A_174 = tpu.memref_slice %arg9[%arg0, %dma_start3A, %dma_start3A_173] : memref<2x1032x64xf32, #tpu.memory_space<hbm>> -> memref<1x1032x64xf32, #tpu.memory_space<hbm>>
        %dma_start3A_175 = tpu.memref_squeeze %dma_start3A_174 : memref<1x1032x64xf32, #tpu.memory_space<hbm>> -> memref<1032x64xf32, #tpu.memory_space<hbm>>
        tpu.enqueue_dma source(%arg23 : memref<1032x64xf32, #tpu.memory_space<vmem_shared>>) target(%dma_start3A_175 : memref<1032x64xf32, #tpu.memory_space<hbm>>) target_semaphore(%run_scoped3A : memref<!tpu.dma_semaphore, #tpu.memory_space<semaphore_mem>>)
        %dma_wait3A = arith.constant 0 : i32
        %dma_wait3A_176 = arith.constant 0 : i32
        %dma_wait3A_177 = tpu.memref_slice %arg9[%arg0, %dma_wait3A, %dma_wait3A_176] : memref<2x1032x64xf32, #tpu.memory_space<hbm>> -> memref<1x1032x64xf32, #tpu.memory_space<hbm>>
        %dma_wait3A_178 = tpu.memref_squeeze %dma_wait3A_177 : memref<1x1032x64xf32, #tpu.memory_space<hbm>> -> memref<1032x64xf32, #tpu.memory_space<hbm>>
        tpu.wait_dma2 semaphore(%run_scoped3A : memref<!tpu.dma_semaphore, #tpu.memory_space<semaphore_mem>>) src(%arg23 : memref<1032x64xf32, #tpu.memory_space<vmem_shared>>) dst(%dma_wait3A_178 : memref<1032x64xf32, #tpu.memory_space<hbm>>)
        tpu.yield
      }) : () -> ()
    } else {
    }
    return
  }
}

#map = affine_map<(d0, d1) -> (0, 0)>
#map1 = affine_map<(d0, d1) -> (0, 0, 0)>
module attributes {stable_mosaic.version = 14 : i64} {
  func.func @_k1_body(%arg0: i32, %arg1: i32, %arg2: memref<2x1600000xi32, #tpu.memory_space<hbm>>, %arg3: memref<100000x16xf32, #tpu.memory_space<hbm>>, %arg4: memref<1000x16xf32, #tpu.memory_space<hbm>>, %arg5: memref<2x100000x16xf32, #tpu.memory_space<hbm>>, %arg6: memref<1000xi32, #tpu.memory_space<vmem>>, %arg7: memref<1000x16xf32, #tpu.memory_space<vmem>>, %arg8: memref<100000x16xf32, #tpu.memory_space<vmem_shared>>) attributes {dimension_semantics = [#tpu.dimension_semantics<core_parallel>, #tpu.dimension_semantics<subcore_parallel>], iteration_bounds = array<i64: 2, 16>, scalar_prefetch = 0 : i64, scratch_operands = 3 : i64, tpu.core_type = #tpu.core_type<sc_vector_subcore>, window_params = [{transform_indices = #map}, {transform_indices = #map}, {transform_indices = #map}, {transform_indices = #map1}]} {
    %mul3A = arith.constant 16 : i32
    %mul3A_0 = arith.muli %arg0, %mul3A : i32
    %add3A = arith.addi %mul3A_0, %arg1 : i32
    %eq3A = arith.constant 0 : i32
    %eq3A_1 = arith.cmpi eq, %arg1, %eq3A : i32
    %convert_element_type3A = arith.extui %eq3A_1 : i1 to i32
    %cond3A = arith.constant 0 : i32
    %cond3A_2 = arith.cmpi ne, %convert_element_type3A, %cond3A : i32
    scf.if %cond3A_2 {
      "tpu.region"() ({
        %run_scoped3A = tpu.sem_alloc : memref<!tpu.dma_semaphore, #tpu.memory_space<semaphore_mem>>
        tpu.enqueue_dma source(%arg3 : memref<100000x16xf32, #tpu.memory_space<hbm>>) target(%arg8 : memref<100000x16xf32, #tpu.memory_space<vmem_shared>>) target_semaphore(%run_scoped3A : memref<!tpu.dma_semaphore, #tpu.memory_space<semaphore_mem>>)
        tpu.wait_dma2 semaphore(%run_scoped3A : memref<!tpu.dma_semaphore, #tpu.memory_space<semaphore_mem>>) src(%arg3 : memref<100000x16xf32, #tpu.memory_space<hbm>>) dst(%arg8 : memref<100000x16xf32, #tpu.memory_space<vmem_shared>>)
        tpu.yield
      }) : () -> ()
    } else {
    }
    "tpu.region"() ({
      %run_scoped3A = tpu.sem_alloc : memref<!tpu.dma_semaphore, #tpu.memory_space<semaphore_mem>>
      tpu.enqueue_dma source(%arg4 : memref<1000x16xf32, #tpu.memory_space<hbm>>) target(%arg7 : memref<1000x16xf32, #tpu.memory_space<vmem>>) target_semaphore(%run_scoped3A : memref<!tpu.dma_semaphore, #tpu.memory_space<semaphore_mem>>)
      tpu.wait_dma2 semaphore(%run_scoped3A : memref<!tpu.dma_semaphore, #tpu.memory_space<semaphore_mem>>) src(%arg4 : memref<1000x16xf32, #tpu.memory_space<hbm>>) dst(%arg7 : memref<1000x16xf32, #tpu.memory_space<vmem>>)
      tpu.yield
    }) : () -> ()
    %barrier3A = arith.constant 0 : index
    tpu.barrier barrier_id(%barrier3A)
    %scan3A = arith.constant 0 : i32
    %scan3A_3 = arith.constant 50 : i32
    %scan3A_4 = arith.addi %scan3A, %scan3A_3 : i32
    %scan3A_5 = arith.constant 1 : i32
    scf.for %scan3A_13 = %scan3A to %scan3A_4 step %scan3A_5  : i32 {
      %mul3A_14 = arith.constant 1 : i32
      %mul3A_15 = arith.muli %scan3A_13, %mul3A_14 : i32
      %add3A_16 = arith.constant 0 : i32
      %add3A_17 = arith.addi %add3A_16, %mul3A_15 : i32
      %mul3A_18 = arith.constant 50000 : i32
      %mul3A_19 = arith.muli %add3A, %mul3A_18 : i32
      %mul3A_20 = arith.constant 1000 : i32
      %mul3A_21 = arith.muli %add3A_17, %mul3A_20 : i32
      %add3A_22 = arith.addi %mul3A_19, %mul3A_21 : i32
      %run_scoped3A = arith.constant 1 : i32
      "tpu.region"() ({
        %run_scoped3A_23 = tpu.sem_alloc : memref<!tpu.dma_semaphore, #tpu.memory_space<semaphore_mem>>
        %dma_start3A = tpu.memref_slice %arg2[%run_scoped3A, %add3A_22] : memref<2x1600000xi32, #tpu.memory_space<hbm>> -> memref<1x1000xi32, #tpu.memory_space<hbm>>
        %dma_start3A_24 = tpu.memref_squeeze %dma_start3A : memref<1x1000xi32, #tpu.memory_space<hbm>> -> memref<1000xi32, #tpu.memory_space<hbm>>
        %dma_start3A_25 = tpu.memref_slice %arg2[%run_scoped3A, %add3A_22] : memref<2x1600000xi32, #tpu.memory_space<hbm>> -> memref<1x1000xi32, #tpu.memory_space<hbm>>
        %dma_start3A_26 = tpu.memref_squeeze %dma_start3A_25 : memref<1x1000xi32, #tpu.memory_space<hbm>> -> memref<1000xi32, #tpu.memory_space<hbm>>
        tpu.enqueue_dma source(%dma_start3A_26 : memref<1000xi32, #tpu.memory_space<hbm>>) target(%arg6 : memref<1000xi32, #tpu.memory_space<vmem>>) target_semaphore(%run_scoped3A_23 : memref<!tpu.dma_semaphore, #tpu.memory_space<semaphore_mem>>)
        %dma_wait3A = tpu.memref_slice %arg2[%run_scoped3A, %add3A_22] : memref<2x1600000xi32, #tpu.memory_space<hbm>> -> memref<1x1000xi32, #tpu.memory_space<hbm>>
        %dma_wait3A_27 = tpu.memref_squeeze %dma_wait3A : memref<1x1000xi32, #tpu.memory_space<hbm>> -> memref<1000xi32, #tpu.memory_space<hbm>>
        %dma_wait3A_28 = tpu.memref_slice %arg2[%run_scoped3A, %add3A_22] : memref<2x1600000xi32, #tpu.memory_space<hbm>> -> memref<1x1000xi32, #tpu.memory_space<hbm>>
        %dma_wait3A_29 = tpu.memref_squeeze %dma_wait3A_28 : memref<1x1000xi32, #tpu.memory_space<hbm>> -> memref<1000xi32, #tpu.memory_space<hbm>>
        tpu.wait_dma2 semaphore(%run_scoped3A_23 : memref<!tpu.dma_semaphore, #tpu.memory_space<semaphore_mem>>) src(%dma_wait3A_29 : memref<1000xi32, #tpu.memory_space<hbm>>) dst(%arg6 : memref<1000xi32, #tpu.memory_space<vmem>>)
        tpu.yield
      }) : () -> ()
      "tpu.region"() ({
        %run_scoped3A_23 = tpu.sem_alloc : memref<!tpu.dma_semaphore, #tpu.memory_space<semaphore_mem>>
        %dma_start3A = arith.constant 0 : i32
        %dma_start3A_24 = arith.constant 0 : i32
        %dma_start3A_25 = tpu.memref_slice %arg8[%dma_start3A, %dma_start3A_24] : memref<100000x16xf32, #tpu.memory_space<vmem_shared>> -> memref<100000x16xf32, #tpu.memory_space<vmem_shared>>
        tpu.enqueue_indirect_dma source(%arg7 : memref<1000x16xf32, #tpu.memory_space<vmem>>) target(%dma_start3A_25 : memref<100000x16xf32, #tpu.memory_space<vmem_shared>>) offsets(%arg6 : memref<1000xi32, #tpu.memory_space<vmem>>) semaphore(%run_scoped3A_23 : memref<!tpu.dma_semaphore, #tpu.memory_space<semaphore_mem>>) {add = true}
        %dma_wait3A = arith.constant 0 : i32
        %dma_wait3A_26 = arith.constant 0 : i32
        %dma_wait3A_27 = tpu.memref_slice %arg8[%dma_wait3A, %dma_wait3A_26] : memref<100000x16xf32, #tpu.memory_space<vmem_shared>> -> memref<100000x16xf32, #tpu.memory_space<vmem_shared>>
        tpu.wait_indirect_dma semaphore(%run_scoped3A_23 : memref<!tpu.dma_semaphore, #tpu.memory_space<semaphore_mem>>) src(%arg7 : memref<1000x16xf32, #tpu.memory_space<vmem>>) dst(%dma_wait3A_27 : memref<100000x16xf32, #tpu.memory_space<vmem_shared>>)
        tpu.yield
      }) : () -> ()
    }
    %scan3A_6 = arith.constant 50 : i32
    %barrier3A_7 = arith.constant 0 : index
    tpu.barrier barrier_id(%barrier3A_7)
    %eq3A_8 = arith.constant 0 : i32
    %eq3A_9 = arith.cmpi eq, %arg1, %eq3A_8 : i32
    %convert_element_type3A_10 = arith.extui %eq3A_9 : i1 to i32
    %cond3A_11 = arith.constant 0 : i32
    %cond3A_12 = arith.cmpi ne, %convert_element_type3A_10, %cond3A_11 : i32
    scf.if %cond3A_12 {
      "tpu.region"() ({
        %run_scoped3A = tpu.sem_alloc : memref<!tpu.dma_semaphore, #tpu.memory_space<semaphore_mem>>
        %dma_start3A = arith.constant 0 : i32
        %dma_start3A_13 = arith.constant 0 : i32
        %dma_start3A_14 = tpu.memref_slice %arg5[%arg0, %dma_start3A, %dma_start3A_13] : memref<2x100000x16xf32, #tpu.memory_space<hbm>> -> memref<1x100000x16xf32, #tpu.memory_space<hbm>>
        %dma_start3A_15 = tpu.memref_squeeze %dma_start3A_14 : memref<1x100000x16xf32, #tpu.memory_space<hbm>> -> memref<100000x16xf32, #tpu.memory_space<hbm>>
        tpu.enqueue_dma source(%arg8 : memref<100000x16xf32, #tpu.memory_space<vmem_shared>>) target(%dma_start3A_15 : memref<100000x16xf32, #tpu.memory_space<hbm>>) target_semaphore(%run_scoped3A : memref<!tpu.dma_semaphore, #tpu.memory_space<semaphore_mem>>)
        %dma_wait3A = arith.constant 0 : i32
        %dma_wait3A_16 = arith.constant 0 : i32
        %dma_wait3A_17 = tpu.memref_slice %arg5[%arg0, %dma_wait3A, %dma_wait3A_16] : memref<2x100000x16xf32, #tpu.memory_space<hbm>> -> memref<1x100000x16xf32, #tpu.memory_space<hbm>>
        %dma_wait3A_18 = tpu.memref_squeeze %dma_wait3A_17 : memref<1x100000x16xf32, #tpu.memory_space<hbm>> -> memref<100000x16xf32, #tpu.memory_space<hbm>>
        tpu.wait_dma2 semaphore(%run_scoped3A : memref<!tpu.dma_semaphore, #tpu.memory_space<semaphore_mem>>) src(%arg8 : memref<100000x16xf32, #tpu.memory_space<vmem_shared>>) dst(%dma_wait3A_18 : memref<100000x16xf32, #tpu.memory_space<hbm>>)
        tpu.yield
      }) : () -> ()
    } else {
    }
    return
  }
}

module attributes {stable_mosaic.version = 14 : i64} {
  func.func @_t1_body(%arg0: i32, %arg1: memref<2x4000x16xf32, #tpu.memory_space<vmem>>, %arg2: memref<4000x9xf32, #tpu.memory_space<vmem>>, %arg3: memref<4000x16xf32, #tpu.memory_space<vmem>>, %arg4: memref<4000x16xf32, #tpu.memory_space<vmem>>) attributes {dimension_semantics = [#tpu.dimension_semantics<arbitrary>], iteration_bounds = array<i64: 25>, scalar_prefetch = 0 : i64, scratch_operands = 0 : i64, tpu.core_type = #tpu.core_type<tc>, window_params = [{transform_indices = @transform_0, window_bounds = array<i64: 2, 4000, 16>}, {transform_indices = @transform_1, window_bounds = array<i64: 4000, 9>}, {transform_indices = @transform_2, window_bounds = array<i64: 4000, 16>}, {transform_indices = @transform_3, window_bounds = array<i64: 4000, 16>}]} {
    %get3A = arith.constant 0 : index
    %get3A_0 = arith.constant 0 : index
    %get3A_1 = arith.constant 0 : index
    %get3A_2 = vector.load %arg1[%get3A, %get3A_0, %get3A_1] : memref<2x4000x16xf32, #tpu.memory_space<vmem>>, vector<1x4000x1xf32>
    %get3A_3 = vector.shape_cast %get3A_2 : vector<1x4000x1xf32> to vector<4000x1xf32>
    %get3A_4 = arith.constant 1 : index
    %get3A_5 = arith.constant 0 : index
    %get3A_6 = arith.constant 0 : index
    %get3A_7 = vector.load %arg1[%get3A_4, %get3A_5, %get3A_6] : memref<2x4000x16xf32, #tpu.memory_space<vmem>>, vector<1x4000x1xf32>
    %get3A_8 = vector.shape_cast %get3A_7 : vector<1x4000x1xf32> to vector<4000x1xf32>
    %add3A = arith.addf %get3A_3, %get3A_8 : vector<4000x1xf32>
    %add3A_9 = arith.constant 1.000000e+00 : f32
    %add3A_10 = vector.broadcast %add3A_9 : f32 to vector<4000x1xf32>
    %add3A_11 = arith.addf %add3A, %add3A_10 : vector<4000x1xf32>
    %sqrt3A = math.sqrt %add3A_11 : vector<4000x1xf32>
    %div3A = arith.constant 1.000000e+00 : f32
    %div3A_12 = vector.broadcast %div3A : f32 to vector<4000x1xf32>
    %div3A_13 = arith.divf %div3A_12, %sqrt3A : vector<4000x1xf32>
    %broadcast_in_dim3A = vector.shape_cast %div3A_13 : vector<4000x1xf32> to vector<4000x1xf32>
    %broadcast_in_dim3A_14 = vector.broadcast %broadcast_in_dim3A : vector<4000x1xf32> to vector<4000x16xf32>
    %swap3A = arith.constant 0 : index
    %swap3A_15 = arith.constant 0 : index
    %swap3A_16 = vector.load %arg4[%swap3A, %swap3A_15] : memref<4000x16xf32, #tpu.memory_space<vmem>>, vector<4000x16xf32>
    tpu.vector_store %arg4[%swap3A, %swap3A_15], %broadcast_in_dim3A_14 {strides = array<i32>} : memref<4000x16xf32, #tpu.memory_space<vmem>>, vector<4000x16xf32>,
    %get3A_17 = arith.constant 0 : index
    %get3A_18 = arith.constant 0 : index
    %get3A_19 = vector.load %arg2[%get3A_17, %get3A_18] : memref<4000x9xf32, #tpu.memory_space<vmem>>, vector<4000x9xf32>
    %mul3A = vector.broadcast %div3A_13 : vector<4000x1xf32> to vector<4000x9xf32>
    %mul3A_20 = arith.mulf %get3A_19, %mul3A : vector<4000x9xf32>
    %broadcast_in_dim3A_21 = arith.constant 0.000000e+00 : f32
    %broadcast_in_dim3A_22 = vector.broadcast %broadcast_in_dim3A_21 : f32 to vector<4000x7xf32>
    %concatenate3A = tpu.concatenate %mul3A_20, %broadcast_in_dim3A_22 in 1 : vector<4000x9xf32>, vector<4000x7xf32> -> vector<4000x16xf32>
    %swap3A_23 = arith.constant 0 : index
    %swap3A_24 = arith.constant 0 : index
    %swap3A_25 = vector.load %arg3[%swap3A_23, %swap3A_24] : memref<4000x16xf32, #tpu.memory_space<vmem>>, vector<4000x16xf32>
    tpu.vector_store %arg3[%swap3A_23, %swap3A_24], %concatenate3A {strides = array<i32>} : memref<4000x16xf32, #tpu.memory_space<vmem>>, vector<4000x16xf32>,
    return
  }
  func.func @transform_0(%arg0: i32) -> (i32, i32, i32) {
    %c0_i32 = arith.constant 0 : i32
    %c0_i32_0 = arith.constant 0 : i32
    %c0_i32_1 = arith.constant 0 : i32
    return %c0_i32, %arg0, %c0_i32_0 : i32, i32, i32
  }
  func.func @transform_1(%arg0: i32) -> (i32, i32) {
    %c0_i32 = arith.constant 0 : i32
    %c0_i32_0 = arith.constant 0 : i32
    return %arg0, %c0_i32 : i32, i32
  }
  func.func @transform_2(%arg0: i32) -> (i32, i32) {
    %c0_i32 = arith.constant 0 : i32
    %c0_i32_0 = arith.constant 0 : i32
    return %arg0, %c0_i32 : i32, i32
  }
  func.func @transform_3(%arg0: i32) -> (i32, i32) {
    %c0_i32 = arith.constant 0 : i32
    %c0_i32_0 = arith.constant 0 : i32
    return %arg0, %c0_i32 : i32, i32
  }
}

module attributes {stable_mosaic.version = 14 : i64} {
  func.func @_t0_body(%arg0: memref<1024x1xi32, #tpu.memory_space<vmem>>, %arg1: memref<1x1024xi32, #tpu.memory_space<vmem>>, %arg2: memref<1024x1xi32, #tpu.memory_space<vmem>>) attributes {dimension_semantics = [], scalar_prefetch = 0 : i64, scratch_operands = 0 : i64, tpu.core_type = #tpu.core_type<tc>} {
    %get3A = arith.constant 0 : index
    %get3A_0 = arith.constant 0 : index
    %get3A_1 = vector.load %arg0[%get3A, %get3A_0] : memref<1024x1xi32, #tpu.memory_space<vmem>>, vector<1024x1xi32>
    %get3A_2 = arith.constant 0 : index
    %get3A_3 = arith.constant 0 : index
    %get3A_4 = vector.load %arg1[%get3A_2, %get3A_3] : memref<1x1024xi32, #tpu.memory_space<vmem>>, vector<1x1024xi32>
    %eq3A = vector.broadcast %get3A_1 : vector<1024x1xi32> to vector<1024x1024xi32>
    %eq3A_5 = vector.broadcast %get3A_4 : vector<1x1024xi32> to vector<1024x1024xi32>
    %eq3A_6 = arith.cmpi eq, %eq3A, %eq3A_5 : vector<1024x1024xi32>
    %iota3A = tpu.iota {dimensions = array<i32: 1>} : vector<1024x1024xi32>
    %jit3A = arith.constant 1073741824 : i32
    %broadcast_in_dim3A = vector.broadcast %jit3A : i32 to vector<1024x1024xi32>
    %select_n3A = arith.select %eq3A_6, %iota3A, %broadcast_in_dim3A : vector<1024x1024xi1>, vector<1024x1024xi32>
    %reduce_min3A = arith.constant dense<2147483647> : vector<1024xi32>
    %reduce_min3A_7 = vector.multi_reduction <minsi>, %select_n3A, %reduce_min3A [1] : vector<1024x1024xi32> to vector<1024xi32>
    %broadcast_in_dim3A_8 = vector.shape_cast %reduce_min3A_7 : vector<1024xi32> to vector<1024x1xi32>
    %swap3A = arith.constant 0 : index
    %swap3A_9 = arith.constant 0 : index
    %swap3A_10 = vector.load %arg2[%swap3A, %swap3A_9] : memref<1024x1xi32, #tpu.memory_space<vmem>>, vector<1024x1xi32>
    tpu.vector_store %arg2[%swap3A, %swap3A_9], %broadcast_in_dim3A_8 {strides = array<i32>} : memref<1024x1xi32, #tpu.memory_space<vmem>>, vector<1024x1xi32>,
    return
  }
}

module attributes {stable_mosaic.version = 14 : i64} {
  func.func @_t2_body(%arg0: i32, %arg1: memref<2x4000x16xf32, #tpu.memory_space<vmem>>, %arg2: memref<4000x9xf32, #tpu.memory_space<vmem>>, %arg3: memref<4000x16xf32, #tpu.memory_space<vmem>>, %arg4: memref<9x64xf32, #tpu.memory_space<vmem>>, %arg5: memref<1x64xf32, #tpu.memory_space<vmem>>, %arg6: memref<4000x64xf32, #tpu.memory_space<vmem>>) attributes {dimension_semantics = [#tpu.dimension_semantics<arbitrary>], iteration_bounds = array<i64: 25>, scalar_prefetch = 0 : i64, scratch_operands = 0 : i64, tpu.core_type = #tpu.core_type<tc>, window_params = [{transform_indices = @transform_0, window_bounds = array<i64: 2, 4000, 16>}, {transform_indices = @transform_1, window_bounds = array<i64: 4000, 9>}, {transform_indices = @transform_2, window_bounds = array<i64: 4000, 16>}, {pipeline_mode = #tpu.pipeline_mode<synchronous>, transform_indices = @transform_3, window_bounds = array<i64: 9, 64>}, {pipeline_mode = #tpu.pipeline_mode<synchronous>, transform_indices = @transform_4, window_bounds = array<i64: 1, 64>}, {transform_indices = @transform_5, window_bounds = array<i64: 4000, 64>}]} {
    %get3A = arith.constant 0 : index
    %get3A_0 = arith.constant 0 : index
    %get3A_1 = vector.load %arg3[%get3A, %get3A_0] : memref<4000x16xf32, #tpu.memory_space<vmem>>, vector<4000x1xf32>
    %get3A_2 = arith.constant 0 : index
    %get3A_3 = arith.constant 0 : index
    %get3A_4 = arith.constant 0 : index
    %get3A_5 = vector.load %arg1[%get3A_2, %get3A_3, %get3A_4] : memref<2x4000x16xf32, #tpu.memory_space<vmem>>, vector<1x4000x9xf32>
    %get3A_6 = vector.shape_cast %get3A_5 : vector<1x4000x9xf32> to vector<4000x9xf32>
    %get3A_7 = arith.constant 1 : index
    %get3A_8 = arith.constant 0 : index
    %get3A_9 = arith.constant 0 : index
    %get3A_10 = vector.load %arg1[%get3A_7, %get3A_8, %get3A_9] : memref<2x4000x16xf32, #tpu.memory_space<vmem>>, vector<1x4000x9xf32>
    %get3A_11 = vector.shape_cast %get3A_10 : vector<1x4000x9xf32> to vector<4000x9xf32>
    %add3A = arith.addf %get3A_6, %get3A_11 : vector<4000x9xf32>
    %mul3A = vector.broadcast %get3A_1 : vector<4000x1xf32> to vector<4000x9xf32>
    %mul3A_12 = arith.mulf %add3A, %mul3A : vector<4000x9xf32>
    %get3A_13 = arith.constant 0 : index
    %get3A_14 = arith.constant 0 : index
    %get3A_15 = vector.load %arg2[%get3A_13, %get3A_14] : memref<4000x9xf32, #tpu.memory_space<vmem>>, vector<4000x9xf32>
    %mul3A_16 = arith.mulf %get3A_1, %get3A_1 : vector<4000x1xf32>
    %mul3A_17 = vector.broadcast %mul3A_16 : vector<4000x1xf32> to vector<4000x9xf32>
    %mul3A_18 = arith.mulf %get3A_15, %mul3A_17 : vector<4000x9xf32>
    %add3A_19 = arith.addf %mul3A_12, %mul3A_18 : vector<4000x9xf32>
    %get3A_20 = arith.constant 0 : index
    %get3A_21 = arith.constant 0 : index
    %get3A_22 = vector.load %arg4[%get3A_20, %get3A_21] : memref<9x64xf32, #tpu.memory_space<vmem>>, vector<9x64xf32>
    %dot_general3A = arith.constant dense<0.000000e+00> : vector<4000x64xf32>
    %dot_general3A_23 = tpu.matmul %add3A_19, %get3A_22, %dot_general3A {dimension_numbers = #tpu.dot_dimension_numbers<[1], [0], [0], [1], [0, 0, 1, 1], [], []>, transpose_lhs_hint = false} : vector<4000x9xf32>, vector<9x64xf32>, vector<4000x64xf32> -> vector<4000x64xf32>
    %get3A_24 = arith.constant 0 : index
    %get3A_25 = arith.constant 0 : index
    %get3A_26 = vector.load %arg5[%get3A_24, %get3A_25] : memref<1x64xf32, #tpu.memory_space<vmem>>, vector<1x64xf32>
    %add3A_27 = vector.broadcast %get3A_26 : vector<1x64xf32> to vector<4000x64xf32>
    %add3A_28 = arith.addf %dot_general3A_23, %add3A_27 : vector<4000x64xf32>
    %max3A = arith.constant 0.000000e+00 : f32
    %max3A_29 = vector.broadcast %max3A : f32 to vector<4000x64xf32>
    %max3A_30 = arith.maximumf %add3A_28, %max3A_29 : vector<4000x64xf32>
    %mul3A_31 = vector.broadcast %get3A_1 : vector<4000x1xf32> to vector<4000x64xf32>
    %mul3A_32 = arith.mulf %max3A_30, %mul3A_31 : vector<4000x64xf32>
    %swap3A = arith.constant 0 : index
    %swap3A_33 = arith.constant 0 : index
    %swap3A_34 = vector.load %arg6[%swap3A, %swap3A_33] : memref<4000x64xf32, #tpu.memory_space<vmem>>, vector<4000x64xf32>
    tpu.vector_store %arg6[%swap3A, %swap3A_33], %mul3A_32 {strides = array<i32>} : memref<4000x64xf32, #tpu.memory_space<vmem>>, vector<4000x64xf32>,
    return
  }
  func.func @transform_0(%arg0: i32) -> (i32, i32, i32) {
    %c0_i32 = arith.constant 0 : i32
    %c0_i32_0 = arith.constant 0 : i32
    %c0_i32_1 = arith.constant 0 : i32
    return %c0_i32, %arg0, %c0_i32_0 : i32, i32, i32
  }
  func.func @transform_1(%arg0: i32) -> (i32, i32) {
    %c0_i32 = arith.constant 0 : i32
    %c0_i32_0 = arith.constant 0 : i32
    return %arg0, %c0_i32 : i32, i32
  }
  func.func @transform_2(%arg0: i32) -> (i32, i32) {
    %c0_i32 = arith.constant 0 : i32
    %c0_i32_0 = arith.constant 0 : i32
    return %arg0, %c0_i32 : i32, i32
  }
  func.func @transform_3(%arg0: i32) -> (i32, i32) {
    %c0_i32 = arith.constant 0 : i32
    %c0_i32_0 = arith.constant 0 : i32
    %c0_i32_1 = arith.constant 0 : i32
    return %c0_i32, %c0_i32_0 : i32, i32
  }
  func.func @transform_4(%arg0: i32) -> (i32, i32) {
    %c0_i32 = arith.constant 0 : i32
    %c0_i32_0 = arith.constant 0 : i32
    %c0_i32_1 = arith.constant 0 : i32
    return %c0_i32, %c0_i32_0 : i32, i32
  }
  func.func @transform_5(%arg0: i32) -> (i32, i32) {
    %c0_i32 = arith.constant 0 : i32
    %c0_i32_0 = arith.constant 0 : i32
    return %arg0, %c0_i32 : i32, i32
  }
}

module attributes {stable_mosaic.version = 14 : i64} {
  func.func @_t3_body(%arg0: memref<2x1032x64xf32, #tpu.memory_space<vmem>>, %arg1: memref<1024x1xi32, #tpu.memory_space<vmem>>, %arg2: memref<1024x64xf32, #tpu.memory_space<vmem>>, %arg3: memref<1024x16xf32, #tpu.memory_space<vmem>>, %arg4: memref<64x64xf32, #tpu.memory_space<vmem>>, %arg5: memref<1x64xf32, #tpu.memory_space<vmem>>, %arg6: memref<64x64xf32, #tpu.memory_space<vmem>>, %arg7: memref<1x64xf32, #tpu.memory_space<vmem>>, %arg8: memref<64x1xf32, #tpu.memory_space<vmem>>, %arg9: memref<1x1xf32, #tpu.memory_space<vmem>>, %arg10: memref<1024x1xf32, #tpu.memory_space<vmem>>) attributes {dimension_semantics = [], scalar_prefetch = 0 : i64, scratch_operands = 0 : i64, tpu.core_type = #tpu.core_type<tc>} {
    %get3A = arith.constant 0 : index
    %get3A_0 = arith.constant 0 : index
    %get3A_1 = arith.constant 0 : index
    %get3A_2 = vector.load %arg0[%get3A, %get3A_0, %get3A_1] : memref<2x1032x64xf32, #tpu.memory_space<vmem>>, vector<1x1032x64xf32>
    %get3A_3 = vector.shape_cast %get3A_2 : vector<1x1032x64xf32> to vector<1032x64xf32>
    %get3A_4 = arith.constant 1 : index
    %get3A_5 = arith.constant 0 : index
    %get3A_6 = arith.constant 0 : index
    %get3A_7 = vector.load %arg0[%get3A_4, %get3A_5, %get3A_6] : memref<2x1032x64xf32, #tpu.memory_space<vmem>>, vector<1x1032x64xf32>
    %get3A_8 = vector.shape_cast %get3A_7 : vector<1x1032x64xf32> to vector<1032x64xf32>
    %add3A = arith.addf %get3A_3, %get3A_8 : vector<1032x64xf32>
    %get3A_9 = arith.constant 0 : index
    %get3A_10 = arith.constant 0 : index
    %get3A_11 = vector.load %arg1[%get3A_9, %get3A_10] : memref<1024x1xi32, #tpu.memory_space<vmem>>, vector<1024x1xi32>
    %iota3A = tpu.iota {dimensions = array<i32: 1>} : vector<1024x1032xi32>
    %eq3A = vector.broadcast %get3A_11 : vector<1024x1xi32> to vector<1024x1032xi32>
    %eq3A_12 = arith.cmpi eq, %eq3A, %iota3A : vector<1024x1032xi32>
    %jit3A = arith.constant 1.000000e+00 : f32
    %jit3A_13 = arith.constant 0.000000e+00 : f32
    %broadcast_in_dim3A = vector.broadcast %jit3A : f32 to vector<1024x1032xf32>
    %broadcast_in_dim3A_14 = vector.broadcast %jit3A_13 : f32 to vector<1024x1032xf32>
    %select_n3A = arith.select %eq3A_12, %broadcast_in_dim3A, %broadcast_in_dim3A_14 : vector<1024x1032xi1>, vector<1024x1032xf32>
    %dot_general3A = arith.constant dense<0.000000e+00> : vector<1024x64xf32>
    %dot_general3A_15 = tpu.matmul %select_n3A, %add3A, %dot_general3A {dimension_numbers = #tpu.dot_dimension_numbers<[1], [0], [0], [1], [0, 0, 1, 1], [], []>, transpose_lhs_hint = false} : vector<1024x1032xf32>, vector<1032x64xf32>, vector<1024x64xf32> -> vector<1024x64xf32>
    %get3A_16 = arith.constant 0 : index
    %get3A_17 = arith.constant 0 : index
    %get3A_18 = vector.load %arg3[%get3A_16, %get3A_17] : memref<1024x16xf32, #tpu.memory_space<vmem>>, vector<1024x1xf32>
    %get3A_19 = arith.constant 0 : index
    %get3A_20 = arith.constant 0 : index
    %get3A_21 = vector.load %arg2[%get3A_19, %get3A_20] : memref<1024x64xf32, #tpu.memory_space<vmem>>, vector<1024x64xf32>
    %add3A_22 = arith.addf %dot_general3A_15, %get3A_21 : vector<1024x64xf32>
    %mul3A = vector.broadcast %get3A_18 : vector<1024x1xf32> to vector<1024x64xf32>
    %mul3A_23 = arith.mulf %mul3A, %add3A_22 : vector<1024x64xf32>
    %get3A_24 = arith.constant 0 : index
    %get3A_25 = arith.constant 0 : index
    %get3A_26 = vector.load %arg4[%get3A_24, %get3A_25] : memref<64x64xf32, #tpu.memory_space<vmem>>, vector<64x64xf32>
    %dot_general3A_27 = arith.constant dense<0.000000e+00> : vector<1024x64xf32>
    %dot_general3A_28 = tpu.matmul %mul3A_23, %get3A_26, %dot_general3A_27 {dimension_numbers = #tpu.dot_dimension_numbers<[1], [0], [0], [1], [0, 0, 1, 1], [], []>, transpose_lhs_hint = false} : vector<1024x64xf32>, vector<64x64xf32>, vector<1024x64xf32> -> vector<1024x64xf32>
    %get3A_29 = arith.constant 0 : index
    %get3A_30 = arith.constant 0 : index
    %get3A_31 = vector.load %arg5[%get3A_29, %get3A_30] : memref<1x64xf32, #tpu.memory_space<vmem>>, vector<1x64xf32>
    %add3A_32 = vector.broadcast %get3A_31 : vector<1x64xf32> to vector<1024x64xf32>
    %add3A_33 = arith.addf %dot_general3A_28, %add3A_32 : vector<1024x64xf32>
    %max3A = arith.constant 0.000000e+00 : f32
    %max3A_34 = vector.broadcast %max3A : f32 to vector<1024x64xf32>
    %max3A_35 = arith.maximumf %add3A_33, %max3A_34 : vector<1024x64xf32>
    %get3A_36 = arith.constant 0 : index
    %get3A_37 = arith.constant 0 : index
    %get3A_38 = vector.load %arg6[%get3A_36, %get3A_37] : memref<64x64xf32, #tpu.memory_space<vmem>>, vector<64x64xf32>
    %dot_general3A_39 = arith.constant dense<0.000000e+00> : vector<1024x64xf32>
    %dot_general3A_40 = tpu.matmul %max3A_35, %get3A_38, %dot_general3A_39 {dimension_numbers = #tpu.dot_dimension_numbers<[1], [0], [0], [1], [0, 0, 1, 1], [], []>, transpose_lhs_hint = false} : vector<1024x64xf32>, vector<64x64xf32>, vector<1024x64xf32> -> vector<1024x64xf32>
    %get3A_41 = arith.constant 0 : index
    %get3A_42 = arith.constant 0 : index
    %get3A_43 = vector.load %arg7[%get3A_41, %get3A_42] : memref<1x64xf32, #tpu.memory_space<vmem>>, vector<1x64xf32>
    %add3A_44 = vector.broadcast %get3A_43 : vector<1x64xf32> to vector<1024x64xf32>
    %add3A_45 = arith.addf %dot_general3A_40, %add3A_44 : vector<1024x64xf32>
    %tanh3A = math.tanh %add3A_45 : vector<1024x64xf32>
    %get3A_46 = arith.constant 0 : index
    %get3A_47 = arith.constant 0 : index
    %get3A_48 = vector.load %arg8[%get3A_46, %get3A_47] : memref<64x1xf32, #tpu.memory_space<vmem>>, vector<64x1xf32>
    %dot_general3A_49 = arith.constant dense<0.000000e+00> : vector<1024x1xf32>
    %dot_general3A_50 = tpu.matmul %tanh3A, %get3A_48, %dot_general3A_49 {dimension_numbers = #tpu.dot_dimension_numbers<[1], [0], [0], [1], [0, 0, 1, 1], [], []>, transpose_lhs_hint = false} : vector<1024x64xf32>, vector<64x1xf32>, vector<1024x1xf32> -> vector<1024x1xf32>
    %get3A_51 = arith.constant 0 : index
    %get3A_52 = arith.constant 0 : index
    %get3A_53 = vector.load %arg9[%get3A_51, %get3A_52] : memref<1x1xf32, #tpu.memory_space<vmem>>, vector<1x1xf32>
    %add3A_54 = vector.broadcast %get3A_53 : vector<1x1xf32> to vector<1024x1xf32>
    %add3A_55 = arith.addf %dot_general3A_50, %add3A_54 : vector<1024x1xf32>
    %swap3A = arith.constant 0 : index
    %swap3A_56 = arith.constant 0 : index
    %swap3A_57 = vector.load %arg10[%swap3A, %swap3A_56] : memref<1024x1xf32, #tpu.memory_space<vmem>>, vector<1024x1xf32>
    tpu.vector_store %arg10[%swap3A, %swap3A_56], %add3A_55 {strides = array<i32>} : memref<1024x1xf32, #tpu.memory_space<vmem>>, vector<1024x1xf32>,
    return
  }
}

</mosaic_0001>

<sc_bundles>
// kernel: kernel.12.cloned.1.call-start
scs
__scs_entry_jumppad:
0x0: {  	(pc) =	sbr.rel $0x88, $3  }
0x1: {  	(tag) =	ssettag $0x0;
	lr =	simm.s32 $0x1  }
0x2: {  	[smem:$0x3F96] =	sst lr;
	_ =	strace $0xD0000000  }
0x3: {  	_ = 	snop  }
0x4: {  	_ = 	snop  }
0x5: {  	_ = 	snop  }
0x6: {  	_ = 	snop  }
0x7: {  	_ = 	snop  }
__scs_overlays_trampoline_lowered:
0x8: {  	[smem:$0x3FA5] =	sst s0  }
0x9: {  	[smem:$0x3FA6] =	sst s1  }
0xa: {  	[smem:$0x3FA7] =	sst s2  }
0xb: {  	[smem:$0x3FA8] =	sst s3  }
0xc: {  	[smem:$0x3FA9] =	sst s4  }
0xd: {  	[smem:$0x3FAA] =	sst s5  }
0xe: {  	[smem:$0x3FAB] =	sst s6  }
0xf: {  	[smem:$0x3FAC] =	sst s7  }
0x10: {  	[smem:$0x3FAD] =	sst s8  }
0x11: {  	[smem:$0x3FAE] =	sst s9;
	s0 =	simm.s32 @!p0 $0x0  }
0x12: {  	s1 =	sld [smem:$0x3F94];
	s0 =	simm.s32 @p0 $0x1  }
0x13: {  	[smem:$0x3FAF] =	sst s0;
	s0 =	simm.s32 @!p1 $0x0  }
0x14: {  	s2 =	sld [smem:$0x3F93];
	s0 =	simm.s32 @p1 $0x1  }
0x15: {  	[smem:$0x3FB0] =	sst s0;
	s0 =	simm.s32 @!p2 $0x0  }
0x16: {  	s3 =	sld [smem:$0x3FDB];
	s0 =	simm.s32 @p2 $0x1  }
0x17: {  	s4 =	simm.s32 $0x1BF5;
	[smem:$0x3FB2] =	sst s0  }
0x18: {  	s0 =	sld [smem:$0x3F95];
	_ =	swait.ge [sflag:s4], $0x0  }
0x19: {  	s7 =	sld [smem:$0x3F96]  }
0x1a: {  	s8 =	sadd.s32 $0xFFFFE003, lr  }
0x1b: {  	s9 =	sadd.s32 $0xFFFFFEF7, lr;
	s5 =	simm.s32 $0xFFFFFFFF;
	p2 =	slt.u32 s8, $0xFFFFF086  }
0x1c: {  	p1 =	slt.u32 s9, $0xF7A;
	s5 =	simm.s32 @!p2 $0x0  }
0x1d: {  	s5 =	simm.s32 @p1 $0x1;
	p0 =	seq.s32 s7, s2  }
0x1e: {  	s7 =	smul.u32 @!p0 $0xF7A, s2;
	p2 =	seq.s32 @!p0 s5, $0x0  }
0x1f: {  	s9 =	smul.u32 $0xF7A, s1;
	s8 =	simm.s32 @!p0 $0x1BF5;
	p2 =	por !p2, p0  }
0x20: {  	[sflag:s8] =	ssyncset.s32 @!p0 $0xFFFFF086;
	s6 =	sadd.s32 @!p0 s3, s7;
	s7 =	simm.s32 @!p0 $0x108  }
0x21: {  	s3 =	sadd.s32 s3, s9;
	s6 =	sadd.s32 @!p0 $0x88, s6;
	s7 =	simm.s32 @p2 $0x1082  }
0x22: {  	[simem:s7], [sflag:s8] =	dma.local @!p0 [hbm:s6], $0xF7A  }
0x23: {  	s9 =	sor.u32 $0xD0000000, s2;
	s6 =	simm.s32 $0x108;
	_ =	swait.ge @!p0 [sflag:s8], $0x0  }
0x24: {  	s3 =	sadd.s32 $0x88, s3;
	s6 =	simm.s32 @!p1 $0x1082;
	[sflag:s4] =	ssyncset.s32 $0xFFFFF086  }
0x25: {  	[simem:s6], [sflag:s4] =	dma.local [hbm:s3], $0xF7A  }
0x26: {  	[smem:$0x3F96] =	sst s1;
	(tag) =	ssettag s2;
	_ =	strace s9  }
0x27: {  	s1 =	sld [smem:$0x3FA6]  }
0x28: {  	s2 =	sld [smem:$0x3FA7]  }
0x29: {  	s4 =	sld [smem:$0x3FA9]  }
0x2a: {  	p0 =	seq.s32 s5, $0x0;
	s5 =	sld [smem:$0x3FAA]  }
0x2b: {  	s6 =	sld [smem:$0x3FAB]  }
0x2c: {  	s7 =	sld [smem:$0x3FAC]  }
0x2d: {  	s3 =	simm.s32 $0x108;
	s8 =	sld [smem:$0x3FAD]  }
0x2e: {  	s3 =	simm.s32 @!p0 $0x1082;
	s9 =	sld [smem:$0x3FAE]  }
0x2f: {  	lr =	sadd.s32 s0, s3;
	s0 =	sld [smem:$0x3FA5]  }
0x30: {  	s3 =	sld [smem:$0x3FA8]  }
0x31: {  	[smem:$0x3FB1] =	sst s10  }
0x32: {  	s10 =	sld [smem:$0x3FAF];
	_ =	sdelay $0x3  }
0x33: {  	p0 =	seq.s32 s10, $0x1;
	s10 =	sld [smem:$0x3FB1];
	_ =	sdelay $0x3  }
0x34: {  	[smem:$0x3FB1] =	sst s10  }
0x35: {  	s10 =	sld [smem:$0x3FB0];
	_ =	sdelay $0x3  }
0x36: {  	p1 =	seq.s32 s10, $0x1;
	s10 =	sld [smem:$0x3FB1];
	_ =	sdelay $0x3  }
0x37: {  	[smem:$0x3FB1] =	sst s10  }
0x38: {  	s10 =	sld [smem:$0x3FB2]  }
0x39: {  	_ = 	snop;
	(pc) =	sbr.ind lr, $3  }
0x3a: {  	_ = 	snop  }
0x3b: {  	_ = 	snop  }
0x3c: {  	p2 =	seq.s32 s10, $0x1;
	s10 =	sld [smem:$0x3FB1]  }
0x3d: {  	_ =	shalt  }
0x3e: {  	_ =	shalt  }
0x3f: {  	_ =	shalt  }
0x40: {  	_ =	shalt  }
0x41: {  	_ =	shalt  }
0x42: {  	_ =	shalt  }
0x43: {  	_ =	shalt  }
0x44: {  	_ =	shalt  }
0x45: {  	_ =	shalt  }
0x46: {  	_ =	shalt  }
0x47: {  	_ =	shalt  }
0x48: {  	_ =	shalt  }
0x49: {  	_ =	shalt  }
0x4a: {  	_ =	shalt  }
0x4b: {  	_ =	shalt  }
0x4c: {  	_ =	shalt  }
0x4d: {  	_ =	shalt  }
0x4e: {  	_ =	shalt  }
0x4f: {  	_ =	shalt  }
0x50: {  	_ =	shalt  }
0x51: {  	_ =	shalt  }
0x52: {  	_ =	shalt  }
0x53: {  	_ =	shalt  }
0x54: {  	_ =	shalt  }
0x55: {  	_ =	shalt  }
0x56: {  	_ =	shalt  }
0x57: {  	_ =	shalt  }
0x58: {  	_ =	shalt  }
0x59: {  	_ =	shalt  }
0x5a: {  	_ =	shalt  }
0x5b: {  	_ =	shalt  }
0x5c: {  	_ =	shalt  }
0x5d: {  	_ =	shalt  }
0x5e: {  	_ =	shalt  }
0x5f: {  	_ =	shalt  }
0x60: {  	_ =	shalt  }
0x61: {  	_ =	shalt  }
0x62: {  	_ =	shalt  }
0x63: {  	_ =	shalt  }
0x64: {  	_ =	shalt  }
0x65: {  	_ =	shalt  }
0x66: {  	_ =	shalt  }
0x67: {  	_ =	shalt  }
0x68: {  	_ =	shalt  }
0x69: {  	_ =	shalt  }
0x6a: {  	_ =	shalt  }
0x6b: {  	_ =	shalt  }
0x6c: {  	_ =	shalt  }
0x6d: {  	_ =	shalt  }
0x6e: {  	_ =	shalt  }
0x6f: {  	_ =	shalt  }
0x70: {  	_ =	shalt  }
0x71: {  	_ =	shalt  }
0x72: {  	_ =	shalt  }
0x73: {  	_ =	shalt  }
0x74: {  	_ =	shalt  }
0x75: {  	_ =	shalt  }
0x76: {  	_ =	shalt  }
0x77: {  	_ =	shalt  }
0x78: {  	_ =	shalt  }
0x79: {  	_ =	shalt  }
0x7a: {  	_ =	shalt  }
0x7b: {  	_ =	shalt  }
0x7c: {  	_ =	shalt  }
0x7d: {  	_ =	shalt  }
0x7e: {  	_ =	shalt  }
0x7f: {  	_ =	shalt  }
0x80: {  	_ =	shalt  }
0x81: {  	_ =	shalt  }
0x82: {  	_ =	shalt  }
0x83: {  	_ =	shalt  }
0x84: {  	_ =	shalt  }
0x85: {  	_ =	shalt  }
0x86: {  	_ =	shalt  }
0x87: {  	_ =	shalt  }
.Lfunc_end0:
.L_simem_size_0:
called_computation.1_lowered:
.L_overlay_start_0:
0x88: {  	s2 =	sld [smem:$0x3FD9]  }
0x89: {  	s3 =	sld [smem:$0x3FFE];
	_ =	sdelay $0x1  }
0x8a: {  	s1 =	srdreg.scid  }
0x8b: {  	s0 =	sand.u32 $0x1, s1  }
0x8c: {  	s16 =	sshll.u32 s0, $0xA;
	s2 =	sadd.s32 s3, s2  }
0x8d: {  	s2 =	sadd.s32 s2, s16  }
0x8e: {  	[smem:$0x3FBD] =	sst s2  }
0x8f: {  	_ = 	snop  }
0x90: {  	(tm) =	ssettm $0x1  }
0x91: {  	s17 =	sld [smem:$0x3FFB];
	_ =	sdelay $0x3  }
0x92: {  	_ =	strace s17  }
0x93: {  	s2 =	sld [smem:$0x3FFC];
	_ =	sdelay $0x3  }
0x94: {  	_ =	strace s2  }
0x95: {  	s2 =	sld [smem:$0x3FFD];
	_ =	sdelay $0x3  }
0x96: {  	_ =	strace s2  }
0x97: {  	_ =	strace $0x8FFFFFFF  }
0x98: {  	s18 =	sld [smem:$0x3FDB];
	_ =	sdelay $0x1  }
0x99: {  	s19 =	simm.s32 $_scs_section_size  }
0x9a: {  	s4 =	simm.s32 $_size__tile_overlayer_lowered;
	s5 =	simm.s32 $_tile_overlayer_lowered  }
0x9b: {  	s22 =	simm.s32 $0x1BFF;
	s21 =	sshll.u32 s5, $0x1;
	s2 =	sadd.s32 s19, s18  }
0x9c: {  	s6 =	simm.s32 $0x0;
	s20 =	sshll.u32 s4, $0x1;
	s4 =	sadd.s32 s21, s2  }
0x9d: {  	[timem:s6], [sflag:s22] =	dma.local [hbm:s4], s20  }
0x9e: {  	_ =	swait.ge [sflag:s22], s20  }
0x9f: {  	s3 =	ssub.s32 $0x0, s20;
	[sflag:s22] =	ssyncset.done $0x0  }
0xa0: {  	[sflag:s22] =	ssyncadd.s32 s3;
	_ =	sdelay $0x1  }
0xa1: {  	s23 =	simm.s32 $0x1B8B  }
0xa2: {  	_ =	swait.ge [sflag:s23], $0x1  }
0xa3: {  	[sflag:s23] =	ssyncset.done $0x0  }
0xa4: {  	s25 =	simm.s32 $0x1B8E;
	s24 =	sld [smem:$0x3FFE];
	[sflag:s23] =	ssyncadd.s32 $0xFFFFFFFF  }
0xa5: {  	s26 =	simm.s32 $execute0_lowered;
	[smem:$0x3FD2] =	sst s25  }
0xa6: {  	s4 =	sshll.u32 s26, $0x1;
	_ =	strace $0x80000049;
	[dreg:$0x1] =	wrdreg $0xFFFFFFFF  }
0xa7: {  	s28 =	simm.s32 $_size_execute0_lowered;
	s2 =	sadd.s32 s2, s4;
	[dreg:$0x0] =	wrdreg $0x0  }
0xa8: {  	s4 =	sshll.u32 s28, $0x1;
	[dreg:$0x2] =	wrdreg s2  }
0xa9: {  	[dreg:$0x3] =	wrdreg s4  }
0xaa: {  	[dreg:$0x4] =	wrdreg $0xC0  }
0xab: {  	_ =	task [dreg:s6], $0x5FFFF  }
0xac: {  	[dreg:$0x1] =	wrdreg $0xFFFFFFFF  }
0xad: {  	[dreg:$0x0] =	wrdreg $0x60  }
0xae: {  	[dreg:$0x2] =	wrdreg s24  }
0xaf: {  	[dreg:$0x3] =	wrdreg $0x46500  }
0xb0: {  	[dreg:$0x4] =	wrdreg $0x9  }
0xb1: {  	_ =	task.clear_ibuf [dreg:s6], $0x5FFFF;
	_ =	strace $0x90000049  }
0xb2: {  	s29 =	simm.s32 $0x9;
	_ =	strace $0x8000004B  }
0xb3: {  	_ =	swait.ge [sflag:s29], $0x1  }
0xb4: {  	[sflag:s29] =	ssyncadd.s32 $0xFFFFFFFF  }
0xb5: {  	_ =	strace $0x9000004B  }
0xb6: {  	_ =	sfence  }
0xb7: {  	s30 =	sld [smem:$0x0];
	_ =	sdelay $0x2  }
0xb8: {  	s31 =	sshll.u32 s1, $0xD;
	s1 =	sshrl.u32 s1, $0x2  }
0xb9: {  	s3 =	sand.u32 $0x4000, s31;
	s1 =	sadd.s32 s1, s30  }
0xba: {  	s0 =	sor.u32 s3, s0;
	s1 =	sshll.u32 s1, $0x11  }
0xbb: {  	s0 =	sor.u32 s1, s0  }
0xbc: {  	s0 =	sadd.s32 $0x8F2B, s0  }
0xbd: {  	[sflag:s0] =	ssyncadd.remote.s32 $0x1  }
0xbe: {  	_ =	sfence.sel $0xFFFF  }
0xbf: {  	[dreg:$0x0] =	wrdreg $0xFFFFFFFF;
	(pc) =	sbr.abs _section_cstart, $3  }
0xc0: {  	[dreg:$0x1] =	wrdreg $0xFFFFFFFF  }
0xc1: {  	_ =	task.clear_ibuf [dreg:s6], $0x2FFFF;
	_ =	strace $0x9FFFFFFF  }
0xc2: {  	(tm) =	ssettm $0x7FFFFFFF  }
0xc3: {  	_ =	shalt  }
tec
execute0_lowered:
.L_overlay_start_1:
0x0: {  	(tag) =	ssettag $0x1  }
0x1: {  	s5 =	rddreg [dreg:$0x0]  }
0x2: {  	s1 =	rddreg [dreg:$0x1]  }
0x3: {  	s0 =	rddreg [dreg:$0x2]  }
0x4: {  	s2 =	simm.s32 $0x0;
	s3 =	srdreg.scid;
	s9 =	stileid.u32  }
0x5: {  	s12 =	simm.s32 $0x7D0;
	s13 =	simm.s32 $0x0;
	[smem:$0x7FF] =	sst s2  }
0x6: {  	s4 =	sand.u32 $0x1, s3;
	s8 =	sadd.s32 $0x2400, s5;
	s11 =	smul.u32 $0xC350, s9  }
0x7: {  	s3 =	sadd.s32 $0x94E00, s5;
	p0 =	sne.s32 s9, $0x0;
	s6 =	smul.u32 $0x30D40, s4  }
0x8: {  	_ =	strace $0x8000004A;
	s7 =	smul.u32 $0xC3500, s4;
	s10 =	ssub.s32 $0x2, s4  }
0x9: {  	s4 =	sadd.s32 $0x64000, s5;
	s9 =	sshrl.u32 @!p0 s1, $0x3;
	s29 =	sshrl.u32 s10, $0x1  }
0xa: {  	s5 =	sadd.s32 s6, s5;
	s6 =	ssub.s32 s10, s29;
	s7 =	sadd.s32 s11, s7  }
0xb: {  	s10 =	simm.s32 $0x1;
	s5 =	sadd.s32 $0x27DC00, s5;
	s11 =	sadd.s32 $0x186A00, s7  }
0xc: {  	s6 =	smax.u32 s6, $0x1;
	s30 =	sshrl.u32 s7, $0x3;
	s31 =	sshrl.u32 s11, $0x3  }
0xd: {  	s7 =	sadd.s32 s30, s8;
	s11 =	simm.s32 $0x3E8;
	s8 =	sadd.s32 s31, s8  }
.LBB2_1:
0xe: {  	s14 =	simm.s32 @!p0 $0x1C01  }
0xf: {  	[spmem:s9], [sflag:s14] =	dma.local @!p0 [hbm:s4], $0x30D40  }
0x10: {  	s14 =	simm.s32 @!p0 $0x1  }
0x11: {  	_ =	swait.ge @!p0 [sflag:s14], $0x30D40  }
0x12: {  	[sflag:s14] =	ssyncset.done @!p0 $0x0  }
0x13: {  	[sflag:s14] =	ssyncadd.s32 @!p0 $0xFFFCF2C0  }
0x14: {  	s30 =	sadd.s32 $0x0, s7;
	[bflag:$0x0] =	sbarrier.arrive $0xFFFF  }
0x15: {  	[tilespmem:s2], [sflag:$0x1] =	stream.linear.gather [hbm4b:s30+s2], $0x3E8, $0x38;
	[tilespmem:$0x1CCF0] =	vst v63  }
0x16: {  	_ =	swait.ge [sflag:s10], $0x3E8  }
0x17: {  	[sflag:s10] =	ssyncset.done $0x0  }
0x18: {  	s31 =	sadd.s32 $0x0, s8;
	[sflag:s10] =	ssyncadd.s32 $0xFFFFFC18  }
0x19: {  	[tilespmem:s11], [sflag:$0x1] =	stream.linear.gather [hbm4b:s31+s2], $0x3E8, $0x38;
	[tilespmem:$0x1CCF0] =	vst v63  }
0x1a: {  	_ =	swait.ge [sflag:s10], $0x3E8  }
0x1b: {  	[sflag:s10] =	ssyncset.done $0x0  }
0x1c: {  	[sflag:s10] =	ssyncadd.s32 $0xFFFFFC18  }
0x1d: {  	[tilespmem:s12], [sflag:$0x1] =	stream.indirect.gather [hbm4b:s3+s11], $0x10, s2, s11, $0xb8;
	[tilespmem:$0x1CCF0] =	vst v63  }
0x1e: {  	_ =	swait.ge [sflag:s10], $0x3E80  }
0x1f: {  	[sflag:s10] =	ssyncset.done $0x0  }
0x20: {  	[sflag:s10] =	ssyncadd.s32 $0xFFFFC180  }
0x21: {  	[spmem:s1] =	stream.indirect.scatter.add.f32 [tilespmem:s12], [sflag:$0x1], $0x10, s11, s11, $0xb8;
	[tilespmem:$0x1CCF0] =	vst v63  }
0x22: {  	_ =	swait.ge [sflag:s10], $0x3E80  }
0x23: {  	s15 =	simm.s32 $0xFA;
	s14 =	simm.s32 $0x7D;
	[sflag:s10] =	ssyncset.done $0x0  }
.LBB2_2:
0x24: {  	s16 =	sadd.s32 s14, s7  }
0x25: {  	[sflag:s10] =	ssyncadd.s32 $0xFFFFC180;
	s17 =	smov.u32 s15;
	s18 =	sadd.s32 $0x7D, s15  }
0x26: {  	[tilespmem:s2], [sflag:$0x1] =	stream.linear.gather [hbm4b:s16+s2], $0x3E8, $0x38;
	[tilespmem:$0x1CCF0] =	vst v63  }
0x27: {  	p1 =	sne.s32 s15, $0x17ED;
	_ =	swait.ge [sflag:s10], $0x3E8  }
0x28: {  	[sflag:s10] =	ssyncset.done $0x0  }
0x29: {  	s15 =	sadd.s32 s14, s8;
	s14 =	smov.u32 s17;
	[sflag:s10] =	ssyncadd.s32 $0xFFFFFC18  }
0x2a: {  	[tilespmem:s11], [sflag:$0x1] =	stream.linear.gather [hbm4b:s15+s2], $0x3E8, $0x38;
	[tilespmem:$0x1CCF0] =	vst v63  }
0x2b: {  	_ =	swait.ge [sflag:s10], $0x3E8  }
0x2c: {  	[sflag:s10] =	ssyncset.done $0x0  }
0x2d: {  	[sflag:s10] =	ssyncadd.s32 $0xFFFFFC18  }
0x2e: {  	[tilespmem:s12], [sflag:$0x1] =	stream.indirect.gather [hbm4b:s3+s11], $0x10, s2, s11, $0xb8;
	[tilespmem:$0x1CCF0] =	vst v63  }
0x2f: {  	_ =	swait.ge [sflag:s10], $0x3E80  }
.Ltmp0:
0x30: {  	[sflag:s10] =	ssyncset.done $0x0;
	(pc) =	sbr.rel @p1 .LBB2_2-.Ltmp0, $4  }
0x31: {  	[sflag:s10] =	ssyncadd.s32 $0xFFFFC180  }
0x32: {  	[spmem:s1] =	stream.indirect.scatter.add.f32 [tilespmem:s12], [sflag:$0x1], $0x10, s11, s11, $0xb8;
	[tilespmem:$0x1CCF0] =	vst v63  }
0x33: {  	_ =	swait.ge [sflag:s10], $0x3E80  }
0x34: {  	s15 =	smov.u32 s18;
	[sflag:s10] =	ssyncset.done $0x0  }
0x35: {  	s15 =	sadd.s32 s14, s7;
	[sflag:s10] =	ssyncadd.s32 $0xFFFFC180  }
0x36: {  	[tilespmem:s2], [sflag:$0x1] =	stream.linear.gather [hbm4b:s15+s2], $0x3E8, $0x38;
	[tilespmem:$0x1CCF0] =	vst v63  }
0x37: {  	_ =	swait.ge [sflag:s10], $0x3E8  }
0x38: {  	[sflag:s10] =	ssyncset.done $0x0  }
0x39: {  	s31 =	sadd.s32 s14, s8;
	[sflag:s10] =	ssyncadd.s32 $0xFFFFFC18  }
0x3a: {  	[tilespmem:s11], [sflag:$0x1] =	stream.linear.gather [hbm4b:s31+s2], $0x3E8, $0x38;
	[tilespmem:$0x1CCF0] =	vst v63  }
0x3b: {  	_ =	swait.ge [sflag:s10], $0x3E8  }
0x3c: {  	[sflag:s10] =	ssyncset.done $0x0  }
0x3d: {  	[sflag:s10] =	ssyncadd.s32 $0xFFFFFC18  }
0x3e: {  	[tilespmem:s12], [sflag:$0x1] =	stream.indirect.gather [hbm4b:s3+s11], $0x10, s2, s11, $0xb8;
	[tilespmem:$0x1CCF0] =	vst v63  }
0x3f: {  	_ =	swait.ge [sflag:s10], $0x3E80  }
0x40: {  	[sflag:s10] =	ssyncset.done $0x0  }
0x41: {  	[sflag:s10] =	ssyncadd.s32 $0xFFFFC180  }
0x42: {  	[spmem:s1] =	stream.indirect.scatter.add.f32 [tilespmem:s12], [sflag:$0x1], $0x10, s11, s11, $0xb8;
	[tilespmem:$0x1CCF0] =	vst v63  }
0x43: {  	_ =	swait.ge [sflag:s10], $0x3E80  }
0x44: {  	[sflag:s10] =	ssyncset.done $0x0  }
0x45: {  	s13 =	sadd.s32 $0x1, s13;
	[sflag:s10] =	ssyncadd.s32 $0xFFFFC180  }
0x46: {  	s14 =	simm.s32 @!p0 $0x1C01;
	p1 =	sne.s32 s13, s6;
	[bflag:$0x0] =	sbarrier.arrive $0xFFFF  }
0x47: {  	[hbm:s5], [sflag:s14] =	dma.local @!p0 [spmem:s9], $0x30D40  }
.Ltmp1:
0x48: {  	_ = 	snop;
	(pc) =	sbr.rel @p1 .LBB2_1-.Ltmp1, $4  }
0x49: {  	s14 =	simm.s32 @!p0 $0x1  }
0x4a: {  	_ =	swait.ge @!p0 [sflag:s14], $0x30D40  }
0x4b: {  	[sflag:s14] =	ssyncset.done @!p0 $0x0  }
0x4c: {  	[sflag:s14] =	ssyncadd.s32 @!p0 $0xFFFCF2C0  }
0x4d: {  	_ =	sfence.sel $0x180000  }
0x4e: {  	[bflag:$0x0] =	sbarrier.arrive $0xFFFF  }
0x4f: {  	_ =	strace $0x9000004A  }
0x50: {  	s0 =	sadd.s32 @!p0 $0x100000, s0;
	[bflag:$0x2] =	sbarrier.arrive $0xFFFF  }
0x51: {  	[sflag:s0] =	ssyncadd.tile.s32 @!p0 $0x1;
	_ =	shalt  }
.Lfunc_end2:
_tile_overlayer_lowered:
.L_overlay_start_2:
0x52: {  	(tag) =	ssettag $0x2  }
0x53: {  	s0 =	rddreg [dreg:$0x0];
	s2 =	stileid.u32  }
0x54: {  	s1 =	rddreg [dreg:$0x1];
	p0 =	sne.s32 s2, $0x0  }
0x55: {  	s3 =	rddreg [dreg:$0x2];
	[bflag:$0x3] =	sbarrier.arrive $0xFFFF;
	s2 =	simm.s32 @!p0 $0x1C01  }
0x56: {  	[timem:s3], [sflag:s2] =	dma.local @!p0 [hbm:s0], s1  }
0x57: {  	s0 =	simm.s32 @!p0 $0x1  }
0x58: {  	_ =	swait.ge @!p0 [sflag:s0], s1  }
0x59: {  	s1 =	ssub.s32 @!p0 $0x0, s1;
	[sflag:s0] =	ssyncset.done @!p0 $0x0  }
0x5a: {  	[sflag:s0] =	ssyncadd.s32 @!p0 s1  }
0x5b: {  	[bflag:$0x3] =	sbarrier.arrive $0xFFFF  }
0x5c: {  	_ =	shalt  }

// kernel: kernel.15.cloned.1.call-start
scs
__scs_entry_jumppad:
0x0: {  	(pc) =	sbr.rel $0x88, $3  }
0x1: {  	(tag) =	ssettag $0x0;
	lr =	simm.s32 $0x1  }
0x2: {  	[smem:$0x3F96] =	sst lr;
	_ =	strace $0xD0000000  }
0x3: {  	_ = 	snop  }
0x4: {  	_ = 	snop  }
0x5: {  	_ = 	snop  }
0x6: {  	_ = 	snop  }
0x7: {  	_ = 	snop  }
__scs_overlays_trampoline_lowered:
0x8: {  	[smem:$0x3FA5] =	sst s0  }
0x9: {  	[smem:$0x3FA6] =	sst s1  }
0xa: {  	[smem:$0x3FA7] =	sst s2  }
0xb: {  	[smem:$0x3FA8] =	sst s3  }
0xc: {  	[smem:$0x3FA9] =	sst s4  }
0xd: {  	[smem:$0x3FAA] =	sst s5  }
0xe: {  	[smem:$0x3FAB] =	sst s6  }
0xf: {  	[smem:$0x3FAC] =	sst s7  }
0x10: {  	[smem:$0x3FAD] =	sst s8  }
0x11: {  	[smem:$0x3FAE] =	sst s9;
	s0 =	simm.s32 @!p0 $0x0  }
0x12: {  	s1 =	sld [smem:$0x3F94];
	s0 =	simm.s32 @p0 $0x1  }
0x13: {  	[smem:$0x3FAF] =	sst s0;
	s0 =	simm.s32 @!p1 $0x0  }
0x14: {  	s2 =	sld [smem:$0x3F93];
	s0 =	simm.s32 @p1 $0x1  }
0x15: {  	[smem:$0x3FB0] =	sst s0;
	s0 =	simm.s32 @!p2 $0x0  }
0x16: {  	s3 =	sld [smem:$0x3FDB];
	s0 =	simm.s32 @p2 $0x1  }
0x17: {  	s4 =	simm.s32 $0x1BF5;
	[smem:$0x3FB2] =	sst s0  }
0x18: {  	s0 =	sld [smem:$0x3F95];
	_ =	swait.ge [sflag:s4], $0x0  }
0x19: {  	s7 =	sld [smem:$0x3F96]  }
0x1a: {  	s8 =	sadd.s32 $0xFFFFE003, lr  }
0x1b: {  	s9 =	sadd.s32 $0xFFFFFEF7, lr;
	s5 =	simm.s32 $0xFFFFFFFF;
	p2 =	slt.u32 s8, $0xFFFFF086  }
0x1c: {  	p1 =	slt.u32 s9, $0xF7A;
	s5 =	simm.s32 @!p2 $0x0  }
0x1d: {  	s5 =	simm.s32 @p1 $0x1;
	p0 =	seq.s32 s7, s2  }
0x1e: {  	s7 =	smul.u32 @!p0 $0xF7A, s2;
	p2 =	seq.s32 @!p0 s5, $0x0  }
0x1f: {  	s9 =	smul.u32 $0xF7A, s1;
	s8 =	simm.s32 @!p0 $0x1BF5;
	p2 =	por !p2, p0  }
0x20: {  	[sflag:s8] =	ssyncset.s32 @!p0 $0xFFFFF086;
	s6 =	sadd.s32 @!p0 s3, s7;
	s7 =	simm.s32 @!p0 $0x108  }
0x21: {  	s3 =	sadd.s32 s3, s9;
	s6 =	sadd.s32 @!p0 $0x88, s6;
	s7 =	simm.s32 @p2 $0x1082  }
0x22: {  	[simem:s7], [sflag:s8] =	dma.local @!p0 [hbm:s6], $0xF7A  }
0x23: {  	s9 =	sor.u32 $0xD0000000, s2;
	s6 =	simm.s32 $0x108;
	_ =	swait.ge @!p0 [sflag:s8], $0x0  }
0x24: {  	s3 =	sadd.s32 $0x88, s3;
	s6 =	simm.s32 @!p1 $0x1082;
	[sflag:s4] =	ssyncset.s32 $0xFFFFF086  }
0x25: {  	[simem:s6], [sflag:s4] =	dma.local [hbm:s3], $0xF7A  }
0x26: {  	[smem:$0x3F96] =	sst s1;
	(tag) =	ssettag s2;
	_ =	strace s9  }
0x27: {  	s1 =	sld [smem:$0x3FA6]  }
0x28: {  	s2 =	sld [smem:$0x3FA7]  }
0x29: {  	s4 =	sld [smem:$0x3FA9]  }
0x2a: {  	p0 =	seq.s32 s5, $0x0;
	s5 =	sld [smem:$0x3FAA]  }
0x2b: {  	s6 =	sld [smem:$0x3FAB]  }
0x2c: {  	s7 =	sld [smem:$0x3FAC]  }
0x2d: {  	s3 =	simm.s32 $0x108;
	s8 =	sld [smem:$0x3FAD]  }
0x2e: {  	s3 =	simm.s32 @!p0 $0x1082;
	s9 =	sld [smem:$0x3FAE]  }
0x2f: {  	lr =	sadd.s32 s0, s3;
	s0 =	sld [smem:$0x3FA5]  }
0x30: {  	s3 =	sld [smem:$0x3FA8]  }
0x31: {  	[smem:$0x3FB1] =	sst s10  }
0x32: {  	s10 =	sld [smem:$0x3FAF];
	_ =	sdelay $0x3  }
0x33: {  	p0 =	seq.s32 s10, $0x1;
	s10 =	sld [smem:$0x3FB1];
	_ =	sdelay $0x3  }
0x34: {  	[smem:$0x3FB1] =	sst s10  }
0x35: {  	s10 =	sld [smem:$0x3FB0];
	_ =	sdelay $0x3  }
0x36: {  	p1 =	seq.s32 s10, $0x1;
	s10 =	sld [smem:$0x3FB1];
	_ =	sdelay $0x3  }
0x37: {  	[smem:$0x3FB1] =	sst s10  }
0x38: {  	s10 =	sld [smem:$0x3FB2]  }
0x39: {  	_ = 	snop;
	(pc) =	sbr.ind lr, $3  }
0x3a: {  	_ = 	snop  }
0x3b: {  	_ = 	snop  }
0x3c: {  	p2 =	seq.s32 s10, $0x1;
	s10 =	sld [smem:$0x3FB1]  }
0x3d: {  	_ =	shalt  }
0x3e: {  	_ =	shalt  }
0x3f: {  	_ =	shalt  }
0x40: {  	_ =	shalt  }
0x41: {  	_ =	shalt  }
0x42: {  	_ =	shalt  }
0x43: {  	_ =	shalt  }
0x44: {  	_ =	shalt  }
0x45: {  	_ =	shalt  }
0x46: {  	_ =	shalt  }
0x47: {  	_ =	shalt  }
0x48: {  	_ =	shalt  }
0x49: {  	_ =	shalt  }
0x4a: {  	_ =	shalt  }
0x4b: {  	_ =	shalt  }
0x4c: {  	_ =	shalt  }
0x4d: {  	_ =	shalt  }
0x4e: {  	_ =	shalt  }
0x4f: {  	_ =	shalt  }
0x50: {  	_ =	shalt  }
0x51: {  	_ =	shalt  }
0x52: {  	_ =	shalt  }
0x53: {  	_ =	shalt  }
0x54: {  	_ =	shalt  }
0x55: {  	_ =	shalt  }
0x56: {  	_ =	shalt  }
0x57: {  	_ =	shalt  }
0x58: {  	_ =	shalt  }
0x59: {  	_ =	shalt  }
0x5a: {  	_ =	shalt  }
0x5b: {  	_ =	shalt  }
0x5c: {  	_ =	shalt  }
0x5d: {  	_ =	shalt  }
0x5e: {  	_ =	shalt  }
0x5f: {  	_ =	shalt  }
0x60: {  	_ =	shalt  }
0x61: {  	_ =	shalt  }
0x62: {  	_ =	shalt  }
0x63: {  	_ =	shalt  }
0x64: {  	_ =	shalt  }
0x65: {  	_ =	shalt  }
0x66: {  	_ =	shalt  }
0x67: {  	_ =	shalt  }
0x68: {  	_ =	shalt  }
0x69: {  	_ =	shalt  }
0x6a: {  	_ =	shalt  }
0x6b: {  	_ =	shalt  }
0x6c: {  	_ =	shalt  }
0x6d: {  	_ =	shalt  }
0x6e: {  	_ =	shalt  }
0x6f: {  	_ =	shalt  }
0x70: {  	_ =	shalt  }
0x71: {  	_ =	shalt  }
0x72: {  	_ =	shalt  }
0x73: {  	_ =	shalt  }
0x74: {  	_ =	shalt  }
0x75: {  	_ =	shalt  }
0x76: {  	_ =	shalt  }
0x77: {  	_ =	shalt  }
0x78: {  	_ =	shalt  }
0x79: {  	_ =	shalt  }
0x7a: {  	_ =	shalt  }
0x7b: {  	_ =	shalt  }
0x7c: {  	_ =	shalt  }
0x7d: {  	_ =	shalt  }
0x7e: {  	_ =	shalt  }
0x7f: {  	_ =	shalt  }
0x80: {  	_ =	shalt  }
0x81: {  	_ =	shalt  }
0x82: {  	_ =	shalt  }
0x83: {  	_ =	shalt  }
0x84: {  	_ =	shalt  }
0x85: {  	_ =	shalt  }
0x86: {  	_ =	shalt  }
0x87: {  	_ =	shalt  }
.Lfunc_end0:
.L_simem_size_0:
called_computation.2_lowered:
.L_overlay_start_0:
0x88: {  	s2 =	sld [smem:$0x3FD9]  }
0x89: {  	s3 =	sld [smem:$0x3FFE];
	_ =	sdelay $0x1  }
0x8a: {  	s1 =	srdreg.scid  }
0x8b: {  	s0 =	sand.u32 $0x1, s1  }
0x8c: {  	s17 =	sshll.u32 s0, $0xA;
	s2 =	sadd.s32 s3, s2  }
0x8d: {  	s2 =	sadd.s32 s2, s17  }
0x8e: {  	[smem:$0x3FBD] =	sst s2  }
0x8f: {  	_ = 	snop  }
0x90: {  	s2 =	sld [smem:$0x3FC7]  }
0x91: {  	s18 =	sld [smem:$0x3FD0];
	(tm) =	ssettm $0x1  }
0x92: {  	s4 =	sld [smem:$0x3FFB];
	_ =	sdelay $0x3  }
0x93: {  	_ =	strace s4  }
0x94: {  	s4 =	sld [smem:$0x3FFC];
	_ =	sdelay $0x3  }
0x95: {  	_ =	strace s4  }
0x96: {  	s4 =	sld [smem:$0x3FFD];
	_ =	sdelay $0x3  }
0x97: {  	_ =	strace s4  }
0x98: {  	_ =	strace $0x8FFFFFFF  }
0x99: {  	s19 =	sld [smem:$0x3FDB];
	_ =	sdelay $0x1  }
0x9a: {  	s5 =	simm.s32 $_scs_section_size  }
0x9b: {  	s6 =	simm.s32 $_size__tile_overlayer_lowered;
	s7 =	simm.s32 $_tile_overlayer_lowered  }
0x9c: {  	s22 =	simm.s32 $0x1BFF;
	s21 =	sshll.u32 s7, $0x1;
	s4 =	sadd.s32 s5, s19  }
0x9d: {  	s8 =	simm.s32 $0x0;
	s20 =	sshll.u32 s6, $0x1;
	s6 =	sadd.s32 s21, s4  }
0x9e: {  	[timem:s8], [sflag:s22] =	dma.local [hbm:s6], s20  }
0x9f: {  	_ =	swait.ge [sflag:s22], s20  }
0xa0: {  	s5 =	ssub.s32 $0x0, s20;
	[sflag:s22] =	ssyncset.done $0x0  }
0xa1: {  	[sflag:s22] =	ssyncadd.s32 s5;
	_ =	sdelay $0x1  }
0xa2: {  	s23 =	simm.s32 $0x1B8B  }
0xa3: {  	_ =	swait.ge [sflag:s23], $0x1  }
0xa4: {  	[sflag:s23] =	ssyncset.done $0x0  }
0xa5: {  	s25 =	simm.s32 $0x1B8E;
	s24 =	sld [smem:$0x3FFE];
	[sflag:s23] =	ssyncadd.s32 $0xFFFFFFFF  }
0xa6: {  	s26 =	simm.s32 $execute0_lowered;
	[smem:$0x3FD2] =	sst s25  }
0xa7: {  	s6 =	sshll.u32 s26, $0x1;
	_ =	strace $0x8000004C;
	[dreg:$0x1] =	wrdreg $0xFFFFFFFF  }
0xa8: {  	s28 =	simm.s32 $_size_execute0_lowered;
	s4 =	sadd.s32 s4, s6;
	[dreg:$0x0] =	wrdreg $0x0  }
0xa9: {  	s6 =	sshll.u32 s28, $0x1;
	[dreg:$0x2] =	wrdreg s4  }
0xaa: {  	[dreg:$0x3] =	wrdreg s6  }
0xab: {  	[dreg:$0x4] =	wrdreg $0xC0  }
0xac: {  	_ =	task [dreg:s8], $0x5FFFF  }
0xad: {  	[dreg:$0x1] =	wrdreg $0xFFFFFFFF  }
0xae: {  	[dreg:$0x0] =	wrdreg $0x60  }
0xaf: {  	[dreg:$0x2] =	wrdreg s24  }
0xb0: {  	[dreg:$0x3] =	wrdreg s2  }
0xb1: {  	[dreg:$0x4] =	wrdreg s18  }
0xb2: {  	[dreg:$0x5] =	wrdreg $0x1CD800  }
0xb3: {  	[dreg:$0x6] =	wrdreg $0x9  }
0xb4: {  	_ =	task.clear_ibuf [dreg:s8], $0x7FFFF;
	_ =	strace $0x9000004C  }
0xb5: {  	s29 =	simm.s32 $0x9;
	_ =	strace $0x8000004E  }
0xb6: {  	_ =	swait.ge [sflag:s29], $0x1  }
0xb7: {  	[sflag:s29] =	ssyncadd.s32 $0xFFFFFFFF  }
0xb8: {  	_ =	strace $0x9000004E  }
0xb9: {  	_ =	sfence  }
0xba: {  	s30 =	sld [smem:$0x0];
	_ =	sdelay $0x2  }
0xbb: {  	s31 =	sshll.u32 s1, $0xD;
	s1 =	sshrl.u32 s1, $0x2  }
0xbc: {  	s3 =	sand.u32 $0x4000, s31;
	s1 =	sadd.s32 s1, s30  }
0xbd: {  	s0 =	sor.u32 s3, s0;
	s1 =	sshll.u32 s1, $0x11  }
0xbe: {  	s0 =	sor.u32 s1, s0  }
0xbf: {  	s0 =	sadd.s32 $0x8F2B, s0  }
0xc0: {  	[sflag:s0] =	ssyncadd.remote.s32 $0x1  }
0xc1: {  	_ =	sfence.sel $0xFFFF  }
0xc2: {  	[dreg:$0x0] =	wrdreg $0xFFFFFFFF;
	(pc) =	sbr.abs _section_cstart, $3  }
0xc3: {  	[dreg:$0x1] =	wrdreg $0xFFFFFFFF  }
0xc4: {  	_ =	task.clear_ibuf [dreg:s8], $0x2FFFF;
	_ =	strace $0x9FFFFFFF  }
0xc5: {  	(tm) =	ssettm $0x7FFFFFFF  }
tec
execute0_lowered:
.L_overlay_start_1:
0x0: {  	(tag) =	ssettag $0x1  }
0x1: {  	s0 =	rddreg [dreg:$0x0]  }
0x2: {  	s3 =	rddreg [dreg:$0x3];
	s4 =	simm.s32 $0x0  }
0x3: {  	s1 =	srdreg.scid;
	s16 =	stileid.u32;
	s19 =	simm.s32 $0x46E0  }
0x4: {  	s20 =	simm.s32 $0x800;
	s21 =	simm.s32 $0xFD0;
	s22 =	simm.s32 $0x90  }
0x5: {  	s24 =	simm.s32 $0x18C0;
	s28 =	simm.s32 $0x3CC0;
	s29 =	simm.s32 $0x3CE0  }
0x6: {  	s30 =	simm.s32 $0x44E0;
	s31 =	simm.s32 $0x0;
	[smem:$0x7FF] =	sst s4  }
0x7: {  	s5 =	sadd.s32 $0x2400, s0;
	s6 =	sadd.s32 $0xC9C00, s0;
	s2 =	sadd.s32 $0x2DF800, s0  }
0x8: {  	s1 =	sand.u32 $0x1, s1;
	s7 =	sadd.s32 $0x64000, s0;
	s9 =	sadd.s32 $0x67200, s0  }
0x9: {  	p0 =	sne.s32 s16, $0x0;
	_ =	strace $0x8000004D;
	[dreg:$0x5] =	wrdreg s2  }
0xa: {  	s25 =	smul.u32 $0x2040, s1;
	s10 =	sshll.u32 s1, $0x4;
	[dreg:$0x6] =	wrdreg s7  }
0xb: {  	s1 =	ssub.s32 $0x2, s1;
	s18 =	sshrl.u32 @!p0 s3, $0x3;
	s11 =	sor.u32 s16, s10  }
0xc: {  	s13 =	sshrl.u32 s1, $0x1;
	s16 =	simm.s32 $0x1;
	s2 =	sadd.s32 s25, s0  }
0xd: {  	s10 =	sshll.u32 s11, $0x8;
	s26 =	sshll.u32 s11, $0x6;
	s1 =	ssub.s32 s1, s13  }
0xe: {  	s12 =	sadd.s32 s10, s0;
	s0 =	sadd.s32 s26, s0;
	s10 =	smul.u32 $0xC350, s11  }
0xf: {  	s11 =	sshll.u32 s11, $0x5;
	s14 =	sadd.s32 $0x69400, s2;
	s15 =	smax.u32 s1, $0x1  }
0x10: {  	v0 =	vimm.s32 $0x0;
	v1 =	vimm.s32 $0x400;
	s26 =	simm.s32 $0x20;
	s12 =	sadd.s32 $0x6DE00, s12;
	s13 =	sadd.s32 $0x6D600, s0  }
.LBB2_1:
0x11: {  	s0 =	rddreg [dreg:$0x1]  }
0x12: {  	[tilespmem:s4], [sflag:$0x1] =	stream.linear.gather [hbm4b:s0+s4], $0x400, $0x38;
	[tilespmem:$0x1DDA0] =	vst v63  }
0x13: {  	_ =	swait.ge [sflag:s16], $0x400  }
0x14: {  	[sflag:s16] =	ssyncset.done $0x0  }
0x15: {  	[sflag:s16] =	ssyncadd.s32 $0xFFFFFC00  }
0x16: {  	s1 =	simm.s32 $0x400;
	s23 =	rddreg [dreg:$0x2]  }
0x17: {  	[tilespmem:s1], [sflag:$0x1] =	stream.linear.gather [hbm4b:s23+s4], $0x400, $0x38;
	[tilespmem:$0x1DDA0] =	vst v63  }
0x18: {  	_ =	swait.ge [sflag:s16], $0x400  }
0x19: {  	[sflag:s16] =	ssyncset.done $0x0  }
0x1a: {  	s0 =	simm.s32 @!p0 $0x1C01;
	[sflag:s16] =	ssyncadd.s32 $0xFFFFFC00  }
0x1b: {  	[spmem:s18], [sflag:s0] =	dma.local @!p0 [hbm:s9], $0x2040  }
0x1c: {  	s0 =	simm.s32 @!p0 $0x1  }
0x1d: {  	_ =	swait.ge @!p0 [sflag:s0], $0x2040  }
0x1e: {  	[sflag:s0] =	ssyncset.done @!p0 $0x0  }
0x1f: {  	s25 =	rddreg [dreg:$0x6];
	[sflag:s0] =	ssyncadd.s32 @!p0 $0xFFFFDFC0  }
0x20: {  	[tilespmem:s19], [sflag:$0x1] =	stream.linear.gather [hbm4b:s25+s4], $0x186A0, $0x38;
	[tilespmem:$0x1DDA0] =	vst v63  }
0x21: {  	_ =	swait.ge [sflag:s16], $0x186A0  }
0x22: {  	[sflag:s16] =	ssyncset.done $0x0  }
0x23: {  	s1 =	simm.s32 $0x0;
	s0 =	simm.s32 $0x40;
	[sflag:s16] =	ssyncadd.s32 $0xFFFE7960  }
.LBB2_2:
0x24: {  	p1 =	sne.s32 s0, $0xFC0;
	v2 =	vld [tilespmem:s1+$0x0];
	_ =	sdelay $0x2  }
0x25: {  	v3 =	vld [tilespmem:s1+$0x400]  }
.Ltmp0:
0x26: {  	(pc) =	sbr.rel @p1 .LBB2_2-.Ltmp0, $2  }
0x27: {  	_ =	sdelay $0x2  }
0x28: {  	s1 =	sshra.s32 s0, $0x2;
	s0 =	sadd.s32 $0x40, s0;
	[tilespmem:v2+s19+$0x0] =	vst.idx.msk $0xffff, v3  }
0x29: {  	v2 =	vld [tilespmem:s1+$0x0];
	_ =	sdelay $0x2  }
0x2a: {  	v3 =	vld [tilespmem:s1+$0x400];
	_ =	sdelay $0x4  }
0x2b: {  	[tilespmem:v2+s19+$0x0] =	vst.idx.msk $0xffff, v3  }
0x2c: {  	[bflag:$0x0] =	sbarrier.arrive $0xFFFF  }
0x2d: {  	[tilespmem:$0x17A0] =	vst v0  }
0x2e: {  	[tilespmem:$0x1830] =	vst v1  }
0x2f: {  	[tilespmem:$0x17B0] =	vst v0  }
0x30: {  	[tilespmem:$0x1840] =	vst v1  }
0x31: {  	[tilespmem:$0x17C0] =	vst v0  }
0x32: {  	[tilespmem:$0x1850] =	vst v1  }
0x33: {  	[tilespmem:$0x17D0] =	vst v0  }
0x34: {  	[tilespmem:$0x1860] =	vst v1  }
0x35: {  	[tilespmem:$0x17E0] =	vst v0  }
0x36: {  	[tilespmem:$0x1870] =	vst v1  }
0x37: {  	[tilespmem:$0x17F0] =	vst v0  }
0x38: {  	[tilespmem:$0x1880] =	vst v1  }
0x39: {  	[tilespmem:$0x1800] =	vst v0  }
0x3a: {  	[tilespmem:$0x1890] =	vst v1  }
0x3b: {  	[tilespmem:$0x1810] =	vst v0  }
0x3c: {  	[tilespmem:$0x18A0] =	vst v1  }
0x3d: {  	[tilespmem:$0x1820] =	vst v0  }
0x3e: {  	s0 =	simm.s32 $0x0;
	s1 =	simm.s32 $0x0;
	s2 =	simm.s32 $0x0;
	[tilespmem:$0x18B0] =	vst v1  }
.LBB2_4:
0x3f: {  	s17 =	smul.u32 $0x7D0, s2;
	_ =	sdelay $0x1  }
0x40: {  	s17 =	sadd.s32 s10, s17  }
0x41: {  	s17 =	sshrl.u32 s17, $0x3  }
0x42: {  	s17 =	sadd.s32 s5, s17  }
0x43: {  	[tilespmem:s20], [sflag:$0x1] =	stream.linear.gather [hbm4b:s17+s0], $0x7D0, $0x38;
	[tilespmem:$0x1DDA0] =	vst v63  }
0x44: {  	_ =	swait.ge [sflag:s16], $0x7D0  }
0x45: {  	[sflag:s16] =	ssyncset.done $0x0  }
0x46: {  	s17 =	sadd.s32 $0x30D40, s17;
	[sflag:s16] =	ssyncadd.s32 $0xFFFFF830  }
0x47: {  	[tilespmem:s21], [sflag:$0x1] =	stream.linear.gather [hbm4b:s17+s0], $0x7D0, $0x38;
	[tilespmem:$0x1DDA0] =	vst v63  }
0x48: {  	_ =	swait.ge [sflag:s16], $0x7D0  }
0x49: {  	[sflag:s16] =	ssyncset.done $0x0  }
0x4a: {  	s23 =	simm.s32 $0x0;
	[sflag:s16] =	ssyncadd.s32 $0xFFFFF830  }
0x4b: {  	v2 =	vld [tilespmem:s23+$0xFD0];
	_ =	sdelay $0x7  }
0x4c: {  	v2 =	vld.idx.msk [tilespmem:v2+s19+$0x0], $0xffff;
	_ =	sdelay $0x4  }
0x4d: {  	vm0 =	vgt.s32 v2, $0xFFFFFFFF  }
0x4e: {  	v3 =	vsel vm0, $0x1, v0  }
0x4f: {  	(xrf0) =	vadd.scan.msk.s32 $0xffff, v3;
	_ =	sdelay $0x5  }
0x50: {  	v3, _, _ =	vpop (xrf0)  }
0x51: {  	(v2sf) =	vpush v3, $0xF;
	_ =	sdelay $0x9  }
0x52: {  	v3 =	vld [tilespmem:s23+$0x800];
	_ =	sdelay $0x4  }
0x53: {  	[tilespmem:s1+$0x17A0] =	vst.msk vm0, v3;
	s25 =	spop (v2sf)  }
0x54: {  	[tilespmem:s1+$0x1830] =	vst.msk vm0, v2;
	s1 =	sadd.s32 s1, s25  }
0x55: {  	p2 =	slt.s32 s1, $0x80  }
0x56: {  	s17 =	simm.s32 @!p2 $0x90;
	s23 =	simm.s32 @!p2 $0x17A0;
	s25 =	simm.s32 @!p2 $0x18C0  }
0x57: {  	[tilespmem:s25], [sflag:$0x1] =	stream.indirect.gather @!p2 [hbm4b:s6+s17], $0x40, s23, s17, $0xb8;
	[tilespmem:$0x1DDA0] =	vst v63  }
0x58: {  	s23 =	simm.s32 @!p2 $0x1  }
0x59: {  	_ =	swait.ge @!p2 [sflag:s23], $0x2400  }
0x5a: {  	[sflag:s23] =	ssyncset.done @!p2 $0x0  }
0x5b: {  	s7 =	simm.s32 @!p2 $0x1830;
	[sflag:s23] =	ssyncadd.s32 @!p2 $0xFFFFDC00  }
0x5c: {  	[spmem:s3] =	stream.indirect.scatter.add.f32 @!p2 [tilespmem:s25], [sflag:$0x1], $0x40, s7, s17, $0xb8;
	[tilespmem:$0x1DDA0] =	vst v63  }
0x5d: {  	_ =	swait.ge @!p2 [sflag:s23], $0x2400  }
0x5e: {  	v2 =	vimm.s32 @!p2 $0x0;
	s1 =	simm.s32 @!p2 $0x0;
	s17 =	simm.s32 $0x40;
	[sflag:s23] =	ssyncset.done @!p2 $0x0  }
.LBB2_5:
0x5f: {  	[sflag:s23] =	ssyncadd.s32 @!p2 $0xFFFFDC00;
	s7 =	smov.u32 s17;
	s17 =	sadd.s32 $0x40, s17  }
0x60: {  	v3 =	vimm.s32 @!p2 $0x400;
	p1 =	sne.s32 s17, $0x1F40;
	[tilespmem:$0x17A0] =	vst @!p2 v2  }
0x61: {  	[tilespmem:$0x18B0] =	vst @!p2 v3  }
0x62: {  	[tilespmem:$0x1820] =	vst @!p2 v2  }
0x63: {  	[tilespmem:$0x18A0] =	vst @!p2 v3  }
0x64: {  	[tilespmem:$0x1810] =	vst @!p2 v2  }
0x65: {  	[tilespmem:$0x1890] =	vst @!p2 v3  }
0x66: {  	[tilespmem:$0x1800] =	vst @!p2 v2  }
0x67: {  	[tilespmem:$0x1880] =	vst @!p2 v3  }
0x68: {  	[tilespmem:$0x17F0] =	vst @!p2 v2  }
0x69: {  	[tilespmem:$0x1870] =	vst @!p2 v3  }
0x6a: {  	[tilespmem:$0x17E0] =	vst @!p2 v2  }
0x6b: {  	[tilespmem:$0x17D0] =	vst @!p2 v2  }
0x6c: {  	[tilespmem:$0x17C0] =	vst @!p2 v2  }
0x6d: {  	[tilespmem:$0x17B0] =	vst @!p2 v2  }
0x6e: {  	[tilespmem:$0x1860] =	vst @!p2 v3  }
0x6f: {  	[tilespmem:$0x1850] =	vst @!p2 v3  }
0x70: {  	[tilespmem:$0x1840] =	vst @!p2 v3  }
0x71: {  	s7 =	sshra.s32 s7, $0x2;
	[tilespmem:$0x1830] =	vst @!p2 v3  }
0x72: {  	v2 =	vld [tilespmem:s7+$0xFD0];
	_ =	sdelay $0x7  }
0x73: {  	v2 =	vld.idx.msk [tilespmem:v2+s19+$0x0], $0xffff;
	_ =	sdelay $0x1  }
0x74: {  	v3 =	vld [tilespmem:s7+$0x800];
	_ =	sdelay $0x3  }
0x75: {  	vm0 =	vgt.s32 v2, $0xFFFFFFFF  }
0x76: {  	[tilespmem:s1+$0x17A0] =	vst.msk vm0, v3;
	v3 =	vsel vm0, $0x1, v0  }
0x77: {  	[tilespmem:s1+$0x1830] =	vst.msk vm0, v2;
	(xrf0) =	vadd.scan.msk.s32 $0xffff, v3;
	_ =	sdelay $0x5  }
0x78: {  	v2, _, _ =	vpop (xrf0)  }
0x79: {  	(v2sf) =	vpush v2, $0xF;
	_ =	sdelay $0xe  }
0x7a: {  	s7 =	spop (v2sf)  }
0x7b: {  	s1 =	sadd.s32 s1, s7  }
0x7c: {  	p2 =	slt.s32 s1, $0x80  }
0x7d: {  	s7 =	simm.s32 @!p2 $0x90;
	s23 =	simm.s32 @!p2 $0x17A0;
	s25 =	simm.s32 @!p2 $0x18C0;
	v2 =	vimm.s32 @!p2 $0x0  }
0x7e: {  	[tilespmem:s25], [sflag:$0x1] =	stream.indirect.gather @!p2 [hbm4b:s6+s7], $0x40, s23, s7, $0xb8;
	[tilespmem:$0x1DDA0] =	vst v63  }
0x7f: {  	s1 =	simm.s32 @!p2 $0x0;
	s23 =	simm.s32 @!p2 $0x1  }
0x80: {  	_ =	swait.ge @!p2 [sflag:s23], $0x2400  }
.Ltmp1:
0x81: {  	[sflag:s23] =	ssyncset.done @!p2 $0x0;
	(pc) =	sbr.rel @p1 .LBB2_5-.Ltmp1, $4  }
0x82: {  	s8 =	simm.s32 @!p2 $0x1830;
	[sflag:s23] =	ssyncadd.s32 @!p2 $0xFFFFDC00  }
0x83: {  	[spmem:s3] =	stream.indirect.scatter.add.f32 @!p2 [tilespmem:s25], [sflag:$0x1], $0x40, s8, s7, $0xb8;
	[tilespmem:$0x1DDA0] =	vst v63  }
0x84: {  	_ =	swait.ge @!p2 [sflag:s23], $0x2400  }
0x85: {  	[sflag:s23] =	ssyncset.done @!p2 $0x0  }
0x86: {  	[sflag:s23] =	ssyncadd.s32 @!p2 $0xFFFFDC00  }
0x87: {  	v3 =	vimm.s32 @!p2 $0x400;
	[tilespmem:$0x17A0] =	vst @!p2 v2  }
0x88: {  	[tilespmem:$0x18B0] =	vst @!p2 v3  }
0x89: {  	[tilespmem:$0x1820] =	vst @!p2 v2  }
0x8a: {  	[tilespmem:$0x18A0] =	vst @!p2 v3  }
0x8b: {  	[tilespmem:$0x1810] =	vst @!p2 v2  }
0x8c: {  	[tilespmem:$0x1890] =	vst @!p2 v3  }
0x8d: {  	[tilespmem:$0x1800] =	vst @!p2 v2  }
0x8e: {  	[tilespmem:$0x1880] =	vst @!p2 v3  }
0x8f: {  	[tilespmem:$0x17F0] =	vst @!p2 v2  }
0x90: {  	[tilespmem:$0x1870] =	vst @!p2 v3  }
0x91: {  	[tilespmem:$0x17E0] =	vst @!p2 v2  }
0x92: {  	s2 =	sadd.s32 $0x1, s2;
	[tilespmem:$0x17D0] =	vst @!p2 v2  }
0x93: {  	[tilespmem:$0x17C0] =	vst @!p2 v2;
	p1 =	sne.s32 s2, $0x19  }
.Ltmp2:
0x94: {  	[tilespmem:$0x17B0] =	vst @!p2 v2;
	(pc) =	sbr.rel @p1 .LBB2_4-.Ltmp2, $4  }
0x95: {  	[tilespmem:$0x1860] =	vst @!p2 v3  }
0x96: {  	[tilespmem:$0x1850] =	vst @!p2 v3  }
0x97: {  	[tilespmem:$0x1840] =	vst @!p2 v3  }
0x98: {  	[tilespmem:$0x1830] =	vst @!p2 v3  }
0x99: {  	s0 =	simm.s32 $0x17A0  }
0x9a: {  	[tilespmem:s24], [sflag:$0x1] =	stream.indirect.gather [hbm4b:s6+s22], $0x40, s0, s22, $0xb8;
	[tilespmem:$0x1DDA0] =	vst v63  }
0x9b: {  	_ =	swait.ge [sflag:s16], $0x2400  }
0x9c: {  	[sflag:s16] =	ssyncset.done $0x0  }
0x9d: {  	s23 =	simm.s32 $0x1830;
	[sflag:s16] =	ssyncadd.s32 $0xFFFFDC00  }
0x9e: {  	[spmem:s3] =	stream.indirect.scatter.add.f32 [tilespmem:s24], [sflag:$0x1], $0x40, s23, s22, $0xb8;
	[tilespmem:$0x1DDA0] =	vst v63  }
0x9f: {  	_ =	swait.ge [sflag:s16], $0x2400  }
0xa0: {  	[sflag:s16] =	ssyncset.done $0x0  }
0xa1: {  	[sflag:s16] =	ssyncadd.s32 $0xFFFFDC00  }
0xa2: {  	[tilespmem:$0x17A0] =	vst v0  }
0xa3: {  	[tilespmem:$0x1830] =	vst v1  }
0xa4: {  	[tilespmem:$0x17B0] =	vst v0  }
0xa5: {  	[tilespmem:$0x1840] =	vst v1  }
0xa6: {  	[tilespmem:$0x17C0] =	vst v0  }
0xa7: {  	[tilespmem:$0x1850] =	vst v1  }
0xa8: {  	[tilespmem:$0x17D0] =	vst v0  }
0xa9: {  	[tilespmem:$0x1860] =	vst v1  }
0xaa: {  	[tilespmem:$0x17E0] =	vst v0  }
0xab: {  	[tilespmem:$0x1870] =	vst v1  }
0xac: {  	[tilespmem:$0x17F0] =	vst v0  }
0xad: {  	[tilespmem:$0x1880] =	vst v1  }
0xae: {  	[tilespmem:$0x1800] =	vst v0  }
0xaf: {  	[tilespmem:$0x1890] =	vst v1  }
0xb0: {  	[tilespmem:$0x1810] =	vst v0  }
0xb1: {  	[tilespmem:$0x18A0] =	vst v1  }
0xb2: {  	[tilespmem:$0x1820] =	vst v0  }
0xb3: {  	[tilespmem:$0x18B0] =	vst v1  }
0xb4: {  	v2 =	vld [tilespmem:s11+$0x0];
	_ =	sdelay $0x4  }
0xb5: {  	[tilespmem:$0x3CC0] =	vst v2  }
0xb6: {  	v2 =	vld [tilespmem:s11+$0x10];
	_ =	sdelay $0x4  }
0xb7: {  	[tilespmem:$0x3CD0] =	vst v2  }
0xb8: {  	[tilespmem:s29], [sflag:$0x1] =	stream.indirect.gather [hbm4b:s6+s26], $0x40, s28, s26, $0xb8;
	[tilespmem:$0x1DDA0] =	vst v63  }
0xb9: {  	_ =	swait.ge [sflag:s16], $0x800  }
0xba: {  	[sflag:s16] =	ssyncset.done $0x0  }
0xbb: {  	s25 =	rddreg [dreg:$0x5];
	[sflag:s16] =	ssyncadd.s32 $0xFFFFF800  }
0xbc: {  	[tilespmem:s30], [sflag:$0x1] =	stream.indirect.gather [hbm4b:s25+s26], $0x10, s28, s26, $0xb8;
	[tilespmem:$0x1DDA0] =	vst v63  }
0xbd: {  	_ =	swait.ge [sflag:s16], $0x200  }
0xbe: {  	[sflag:s16] =	ssyncset.done $0x0  }
0xbf: {  	[sflag:s16] =	ssyncadd.s32 $0xFFFFFE00  }
0xc0: {  	[hbm4b:s12+s4] =	stream.linear.scatter [tilespmem:s29], [sflag:$0x1], $0x800, $0x38;
	[tilespmem:$0x1DDA0] =	vst v63  }
0xc1: {  	_ =	swait.ge [sflag:s16], $0x800  }
0xc2: {  	[sflag:s16] =	ssyncset.done $0x0  }
0xc3: {  	[sflag:s16] =	ssyncadd.s32 $0xFFFFF800  }
0xc4: {  	[hbm4b:s13+s4] =	stream.linear.scatter [tilespmem:s30], [sflag:$0x1], $0x200, $0x38;
	[tilespmem:$0x1DDA0] =	vst v63  }
0xc5: {  	_ =	swait.ge [sflag:s16], $0x200  }
0xc6: {  	[sflag:s16] =	ssyncset.done $0x0  }
0xc7: {  	s31 =	sadd.s32 $0x1, s31;
	[sflag:s16] =	ssyncadd.s32 $0xFFFFFE00  }
0xc8: {  	s0 =	simm.s32 @!p0 $0x1C01;
	p1 =	sne.s32 s31, s15;
	[bflag:$0x0] =	sbarrier.arrive $0xFFFF  }
0xc9: {  	[hbm:s14], [sflag:s0] =	dma.local @!p0 [spmem:s18], $0x2040  }
.Ltmp3:
0xca: {  	_ = 	snop;
	(pc) =	sbr.rel @p1 .LBB2_1-.Ltmp3, $4  }
0xcb: {  	s0 =	simm.s32 @!p0 $0x1  }
0xcc: {  	_ =	swait.ge @!p0 [sflag:s0], $0x2040  }
0xcd: {  	[sflag:s0] =	ssyncset.done @!p0 $0x0  }
0xce: {  	[sflag:s0] =	ssyncadd.s32 @!p0 $0xFFFFDFC0  }
0xcf: {  	_ =	sfence.sel $0x180000  }
0xd0: {  	[bflag:$0x0] =	sbarrier.arrive $0xFFFF  }
0xd1: {  	_ =	strace $0x9000004D  }
0xd2: {  	[bflag:$0x2] =	sbarrier.arrive $0xFFFF  }
0xd3: {  	s0 =	rddreg [dreg:$0x4]  }
0xd4: {  	s0 =	sadd.s32 @!p0 $0x100000, s0  }
0xd5: {  	[sflag:s0] =	ssyncadd.tile.s32 @!p0 $0x1;
	_ =	shalt  }
.Lfunc_end2:
_tile_overlayer_lowered:
.L_overlay_start_2:
0xd6: {  	(tag) =	ssettag $0x2  }
0xd7: {  	s0 =	rddreg [dreg:$0x0];
	s2 =	stileid.u32  }
0xd8: {  	s1 =	rddreg [dreg:$0x1];
	p0 =	sne.s32 s2, $0x0  }
0xd9: {  	s3 =	rddreg [dreg:$0x2];
	[bflag:$0x3] =	sbarrier.arrive $0xFFFF;
	s2 =	simm.s32 @!p0 $0x1C01  }
0xda: {  	[timem:s3], [sflag:s2] =	dma.local @!p0 [hbm:s0], s1  }
0xdb: {  	s0 =	simm.s32 @!p0 $0x1  }
0xdc: {  	_ =	swait.ge @!p0 [sflag:s0], s1  }
0xdd: {  	s1 =	ssub.s32 @!p0 $0x0, s1;
	[sflag:s0] =	ssyncset.done @!p0 $0x0  }
0xde: {  	[sflag:s0] =	ssyncadd.s32 @!p0 s1  }
0xdf: {  	[bflag:$0x3] =	sbarrier.arrive $0xFFFF  }
0xe0: {  	_ =	shalt  }

// kernel: kernel.9.cloned.1.call-start
scs
__scs_entry_jumppad:
0x0: {  	(pc) =	sbr.rel $0x88, $3  }
0x1: {  	(tag) =	ssettag $0x0;
	lr =	simm.s32 $0x1  }
0x2: {  	[smem:$0x3F96] =	sst lr;
	_ =	strace $0xD0000000  }
0x3: {  	_ = 	snop  }
0x4: {  	_ = 	snop  }
0x5: {  	_ = 	snop  }
0x6: {  	_ = 	snop  }
0x7: {  	_ = 	snop  }
__scs_overlays_trampoline_lowered:
0x8: {  	[smem:$0x3FA5] =	sst s0  }
0x9: {  	[smem:$0x3FA6] =	sst s1  }
0xa: {  	[smem:$0x3FA7] =	sst s2  }
0xb: {  	[smem:$0x3FA8] =	sst s3  }
0xc: {  	[smem:$0x3FA9] =	sst s4  }
0xd: {  	[smem:$0x3FAA] =	sst s5  }
0xe: {  	[smem:$0x3FAB] =	sst s6  }
0xf: {  	[smem:$0x3FAC] =	sst s7  }
0x10: {  	[smem:$0x3FAD] =	sst s8  }
0x11: {  	[smem:$0x3FAE] =	sst s9;
	s0 =	simm.s32 @!p0 $0x0  }
0x12: {  	s1 =	sld [smem:$0x3F94];
	s0 =	simm.s32 @p0 $0x1  }
0x13: {  	[smem:$0x3FAF] =	sst s0;
	s0 =	simm.s32 @!p1 $0x0  }
0x14: {  	s2 =	sld [smem:$0x3F93];
	s0 =	simm.s32 @p1 $0x1  }
0x15: {  	[smem:$0x3FB0] =	sst s0;
	s0 =	simm.s32 @!p2 $0x0  }
0x16: {  	s3 =	sld [smem:$0x3FDB];
	s0 =	simm.s32 @p2 $0x1  }
0x17: {  	s4 =	simm.s32 $0x1BF5;
	[smem:$0x3FB2] =	sst s0  }
0x18: {  	s0 =	sld [smem:$0x3F95];
	_ =	swait.ge [sflag:s4], $0x0  }
0x19: {  	s7 =	sld [smem:$0x3F96]  }
0x1a: {  	s8 =	sadd.s32 $0xFFFFE003, lr  }
0x1b: {  	s9 =	sadd.s32 $0xFFFFFEF7, lr;
	s5 =	simm.s32 $0xFFFFFFFF;
	p2 =	slt.u32 s8, $0xFFFFF086  }
0x1c: {  	p1 =	slt.u32 s9, $0xF7A;
	s5 =	simm.s32 @!p2 $0x0  }
0x1d: {  	s5 =	simm.s32 @p1 $0x1;
	p0 =	seq.s32 s7, s2  }
0x1e: {  	s7 =	smul.u32 @!p0 $0xF7A, s2;
	p2 =	seq.s32 @!p0 s5, $0x0  }
0x1f: {  	s9 =	smul.u32 $0xF7A, s1;
	s8 =	simm.s32 @!p0 $0x1BF5;
	p2 =	por !p2, p0  }
0x20: {  	[sflag:s8] =	ssyncset.s32 @!p0 $0xFFFFF086;
	s6 =	sadd.s32 @!p0 s3, s7;
	s7 =	simm.s32 @!p0 $0x108  }
0x21: {  	s3 =	sadd.s32 s3, s9;
	s6 =	sadd.s32 @!p0 $0x88, s6;
	s7 =	simm.s32 @p2 $0x1082  }
0x22: {  	[simem:s7], [sflag:s8] =	dma.local @!p0 [hbm:s6], $0xF7A  }
0x23: {  	s9 =	sor.u32 $0xD0000000, s2;
	s6 =	simm.s32 $0x108;
	_ =	swait.ge @!p0 [sflag:s8], $0x0  }
0x24: {  	s3 =	sadd.s32 $0x88, s3;
	s6 =	simm.s32 @!p1 $0x1082;
	[sflag:s4] =	ssyncset.s32 $0xFFFFF086  }
0x25: {  	[simem:s6], [sflag:s4] =	dma.local [hbm:s3], $0xF7A  }
0x26: {  	[smem:$0x3F96] =	sst s1;
	(tag) =	ssettag s2;
	_ =	strace s9  }
0x27: {  	s1 =	sld [smem:$0x3FA6]  }
0x28: {  	s2 =	sld [smem:$0x3FA7]  }
0x29: {  	s4 =	sld [smem:$0x3FA9]  }
0x2a: {  	p0 =	seq.s32 s5, $0x0;
	s5 =	sld [smem:$0x3FAA]  }
0x2b: {  	s6 =	sld [smem:$0x3FAB]  }
0x2c: {  	s7 =	sld [smem:$0x3FAC]  }
0x2d: {  	s3 =	simm.s32 $0x108;
	s8 =	sld [smem:$0x3FAD]  }
0x2e: {  	s3 =	simm.s32 @!p0 $0x1082;
	s9 =	sld [smem:$0x3FAE]  }
0x2f: {  	lr =	sadd.s32 s0, s3;
	s0 =	sld [smem:$0x3FA5]  }
0x30: {  	s3 =	sld [smem:$0x3FA8]  }
0x31: {  	[smem:$0x3FB1] =	sst s10  }
0x32: {  	s10 =	sld [smem:$0x3FAF];
	_ =	sdelay $0x3  }
0x33: {  	p0 =	seq.s32 s10, $0x1;
	s10 =	sld [smem:$0x3FB1];
	_ =	sdelay $0x3  }
0x34: {  	[smem:$0x3FB1] =	sst s10  }
0x35: {  	s10 =	sld [smem:$0x3FB0];
	_ =	sdelay $0x3  }
0x36: {  	p1 =	seq.s32 s10, $0x1;
	s10 =	sld [smem:$0x3FB1];
	_ =	sdelay $0x3  }
0x37: {  	[smem:$0x3FB1] =	sst s10  }
0x38: {  	s10 =	sld [smem:$0x3FB2]  }
0x39: {  	_ = 	snop;
	(pc) =	sbr.ind lr, $3  }
0x3a: {  	_ = 	snop  }
0x3b: {  	_ = 	snop  }
0x3c: {  	p2 =	seq.s32 s10, $0x1;
	s10 =	sld [smem:$0x3FB1]  }
0x3d: {  	_ =	shalt  }
0x3e: {  	_ =	shalt  }
0x3f: {  	_ =	shalt  }
0x40: {  	_ =	shalt  }
0x41: {  	_ =	shalt  }
0x42: {  	_ =	shalt  }
0x43: {  	_ =	shalt  }
0x44: {  	_ =	shalt  }
0x45: {  	_ =	shalt  }
0x46: {  	_ =	shalt  }
0x47: {  	_ =	shalt  }
0x48: {  	_ =	shalt  }
0x49: {  	_ =	shalt  }
0x4a: {  	_ =	shalt  }
0x4b: {  	_ =	shalt  }
0x4c: {  	_ =	shalt  }
0x4d: {  	_ =	shalt  }
0x4e: {  	_ =	shalt  }
0x4f: {  	_ =	shalt  }
0x50: {  	_ =	shalt  }
0x51: {  	_ =	shalt  }
0x52: {  	_ =	shalt  }
0x53: {  	_ =	shalt  }
0x54: {  	_ =	shalt  }
0x55: {  	_ =	shalt  }
0x56: {  	_ =	shalt  }
0x57: {  	_ =	shalt  }
0x58: {  	_ =	shalt  }
0x59: {  	_ =	shalt  }
0x5a: {  	_ =	shalt  }
0x5b: {  	_ =	shalt  }
0x5c: {  	_ =	shalt  }
0x5d: {  	_ =	shalt  }
0x5e: {  	_ =	shalt  }
0x5f: {  	_ =	shalt  }
0x60: {  	_ =	shalt  }
0x61: {  	_ =	shalt  }
0x62: {  	_ =	shalt  }
0x63: {  	_ =	shalt  }
0x64: {  	_ =	shalt  }
0x65: {  	_ =	shalt  }
0x66: {  	_ =	shalt  }
0x67: {  	_ =	shalt  }
0x68: {  	_ =	shalt  }
0x69: {  	_ =	shalt  }
0x6a: {  	_ =	shalt  }
0x6b: {  	_ =	shalt  }
0x6c: {  	_ =	shalt  }
0x6d: {  	_ =	shalt  }
0x6e: {  	_ =	shalt  }
0x6f: {  	_ =	shalt  }
0x70: {  	_ =	shalt  }
0x71: {  	_ =	shalt  }
0x72: {  	_ =	shalt  }
0x73: {  	_ =	shalt  }
0x74: {  	_ =	shalt  }
0x75: {  	_ =	shalt  }
0x76: {  	_ =	shalt  }
0x77: {  	_ =	shalt  }
0x78: {  	_ =	shalt  }
0x79: {  	_ =	shalt  }
0x7a: {  	_ =	shalt  }
0x7b: {  	_ =	shalt  }
0x7c: {  	_ =	shalt  }
0x7d: {  	_ =	shalt  }
0x7e: {  	_ =	shalt  }
0x7f: {  	_ =	shalt  }
0x80: {  	_ =	shalt  }
0x81: {  	_ =	shalt  }
0x82: {  	_ =	shalt  }
0x83: {  	_ =	shalt  }
0x84: {  	_ =	shalt  }
0x85: {  	_ =	shalt  }
0x86: {  	_ =	shalt  }
0x87: {  	_ =	shalt  }
.Lfunc_end0:
.L_simem_size_0:
called_computation_lowered:
.L_overlay_start_0:
0x88: {  	s2 =	sld [smem:$0x3FD9]  }
0x89: {  	s3 =	sld [smem:$0x3FFE];
	_ =	sdelay $0x1  }
0x8a: {  	s1 =	srdreg.scid  }
0x8b: {  	s0 =	sand.u32 $0x1, s1  }
0x8c: {  	s16 =	sshll.u32 s0, $0xA;
	s2 =	sadd.s32 s3, s2  }
0x8d: {  	s2 =	sadd.s32 s2, s16  }
0x8e: {  	[smem:$0x3FBD] =	sst s2  }
0x8f: {  	_ = 	snop  }
0x90: {  	(tm) =	ssettm $0x1  }
0x91: {  	s17 =	sld [smem:$0x3FFB];
	_ =	sdelay $0x3  }
0x92: {  	_ =	strace s17  }
0x93: {  	s2 =	sld [smem:$0x3FFC];
	_ =	sdelay $0x3  }
0x94: {  	_ =	strace s2  }
0x95: {  	s2 =	sld [smem:$0x3FFD];
	_ =	sdelay $0x3  }
0x96: {  	_ =	strace s2  }
0x97: {  	_ =	strace $0x8FFFFFFF  }
0x98: {  	s18 =	sld [smem:$0x3FDB];
	_ =	sdelay $0x1  }
0x99: {  	s19 =	simm.s32 $_scs_section_size  }
0x9a: {  	s4 =	simm.s32 $_size__tile_overlayer_lowered;
	s5 =	simm.s32 $_tile_overlayer_lowered  }
0x9b: {  	s22 =	simm.s32 $0x1BFF;
	s21 =	sshll.u32 s5, $0x1;
	s2 =	sadd.s32 s19, s18  }
0x9c: {  	s6 =	simm.s32 $0x0;
	s20 =	sshll.u32 s4, $0x1;
	s4 =	sadd.s32 s21, s2  }
0x9d: {  	[timem:s6], [sflag:s22] =	dma.local [hbm:s4], s20  }
0x9e: {  	_ =	swait.ge [sflag:s22], s20  }
0x9f: {  	s3 =	ssub.s32 $0x0, s20;
	[sflag:s22] =	ssyncset.done $0x0  }
0xa0: {  	[sflag:s22] =	ssyncadd.s32 s3;
	_ =	sdelay $0x1  }
0xa1: {  	s23 =	simm.s32 $0x1B8B  }
0xa2: {  	_ =	swait.ge [sflag:s23], $0x1  }
0xa3: {  	[sflag:s23] =	ssyncset.done $0x0  }
0xa4: {  	s25 =	simm.s32 $0x1B8E;
	s24 =	sld [smem:$0x3FFE];
	[sflag:s23] =	ssyncadd.s32 $0xFFFFFFFF  }
0xa5: {  	s26 =	simm.s32 $execute0_lowered;
	[smem:$0x3FD2] =	sst s25  }
0xa6: {  	s4 =	sshll.u32 s26, $0x1;
	_ =	strace $0x80000046;
	[dreg:$0x1] =	wrdreg $0xFFFFFFFF  }
0xa7: {  	s28 =	simm.s32 $_size_execute0_lowered;
	s2 =	sadd.s32 s2, s4;
	[dreg:$0x0] =	wrdreg $0x0  }
0xa8: {  	s4 =	sshll.u32 s28, $0x1;
	[dreg:$0x2] =	wrdreg s2  }
0xa9: {  	[dreg:$0x3] =	wrdreg s4  }
0xaa: {  	[dreg:$0x4] =	wrdreg $0xC0  }
0xab: {  	_ =	task [dreg:s6], $0x5FFFF  }
0xac: {  	[dreg:$0x1] =	wrdreg $0xFFFFFFFF  }
0xad: {  	[dreg:$0x0] =	wrdreg $0x60  }
0xae: {  	[dreg:$0x2] =	wrdreg s24  }
0xaf: {  	[dreg:$0x3] =	wrdreg $0x42680  }
0xb0: {  	[dreg:$0x4] =	wrdreg $0x9  }
0xb1: {  	_ =	task.clear_ibuf [dreg:s6], $0x5FFFF;
	_ =	strace $0x90000046  }
0xb2: {  	s29 =	simm.s32 $0x9;
	_ =	strace $0x80000048  }
0xb3: {  	_ =	swait.ge [sflag:s29], $0x1  }
0xb4: {  	[sflag:s29] =	ssyncadd.s32 $0xFFFFFFFF  }
0xb5: {  	_ =	strace $0x90000048  }
0xb6: {  	_ =	sfence  }
0xb7: {  	s30 =	sld [smem:$0x0];
	_ =	sdelay $0x2  }
0xb8: {  	s31 =	sshll.u32 s1, $0xD;
	s1 =	sshrl.u32 s1, $0x2  }
0xb9: {  	s3 =	sand.u32 $0x4000, s31;
	s1 =	sadd.s32 s1, s30  }
0xba: {  	s0 =	sor.u32 s3, s0;
	s1 =	sshll.u32 s1, $0x11  }
0xbb: {  	s0 =	sor.u32 s1, s0  }
0xbc: {  	s0 =	sadd.s32 $0x8F2B, s0  }
0xbd: {  	[sflag:s0] =	ssyncadd.remote.s32 $0x1  }
0xbe: {  	_ =	sfence.sel $0xFFFF  }
0xbf: {  	[dreg:$0x0] =	wrdreg $0xFFFFFFFF;
	(pc) =	sbr.abs _section_cstart, $3  }
0xc0: {  	[dreg:$0x1] =	wrdreg $0xFFFFFFFF  }
0xc1: {  	_ =	task.clear_ibuf [dreg:s6], $0x2FFFF;
	_ =	strace $0x9FFFFFFF  }
0xc2: {  	(tm) =	ssettm $0x7FFFFFFF  }
0xc3: {  	_ =	shalt  }
tec
execute0_lowered:
.L_overlay_start_1:
0x0: {  	(tag) =	ssettag $0x1  }
0x1: {  	s0 =	srdreg.scid  }
0x2: {  	s6 =	stileid.u32;
	s5 =	rddreg [dreg:$0x0]  }
0x3: {  	s1 =	rddreg [dreg:$0x1];
	s2 =	simm.s32 $0x0;
	s10 =	simm.s32 $0x1  }
0x4: {  	s4 =	sand.u32 $0x1, s0;
	s7 =	smul.u32 $0xC350, s6;
	s0 =	rddreg [dreg:$0x2]  }
0x5: {  	s11 =	simm.s32 $0x0;
	[smem:$0x7FF] =	sst s2;
	s3 =	smul.u32 $0xC3500, s4  }
0x6: {  	p0 =	sne.s32 s6, $0x0;
	_ =	strace $0x80000047;
	s9 =	ssub.s32 $0x2, s4  }
0x7: {  	s30 =	smul.u32 $0x30D40, s4;
	s31 =	sshrl.u32 s9, $0x1;
	s3 =	sadd.s32 s7, s3  }
0x8: {  	s4 =	sadd.s32 $0x94E00, s5;
	s7 =	ssub.s32 s9, s31;
	s3 =	sadd.s32 $0x186A00, s3  }
0x9: {  	s9 =	simm.s32 $0x3E8;
	s6 =	smax.u32 s7, $0x1;
	s3 =	sshrl.u32 s3, $0x3  }
0xa: {  	s8 =	sadd.s32 s3, s5;
	s3 =	sadd.s32 $0x64000, s5;
	s5 =	sadd.s32 s30, s5  }
0xb: {  	s5 =	sadd.s32 $0x95600, s5;
	s7 =	sadd.s32 $0x2400, s8;
	s8 =	sshrl.u32 @!p0 s1, $0x3  }
.LBB2_1:
0xc: {  	s12 =	simm.s32 @!p0 $0x1C01  }
0xd: {  	[spmem:s8], [sflag:s12] =	dma.local @!p0 [hbm:s3], $0x30D40  }
0xe: {  	s12 =	simm.s32 @!p0 $0x1  }
0xf: {  	_ =	swait.ge @!p0 [sflag:s12], $0x30D40  }
0x10: {  	[sflag:s12] =	ssyncset.done @!p0 $0x0  }
0x11: {  	[sflag:s12] =	ssyncadd.s32 @!p0 $0xFFFCF2C0  }
0x12: {  	[tilespmem:s9], [sflag:$0x1] =	stream.linear.gather [hbm4b:s4+s2], $0x3E80, $0x38;
	[tilespmem:$0x1C908] =	vst v63  }
0x13: {  	_ =	swait.ge [sflag:s10], $0x3E80  }
0x14: {  	[sflag:s10] =	ssyncset.done $0x0  }
0x15: {  	[sflag:s10] =	ssyncadd.s32 $0xFFFFC180  }
0x16: {  	s31 =	sadd.s32 $0x0, s7;
	[bflag:$0x0] =	sbarrier.arrive $0xFFFF  }
0x17: {  	[tilespmem:s2], [sflag:$0x1] =	stream.linear.gather [hbm4b:s31+s2], $0x3E8, $0x38;
	[tilespmem:$0x1C908] =	vst v63  }
0x18: {  	_ =	swait.ge [sflag:s10], $0x3E8  }
0x19: {  	[sflag:s10] =	ssyncset.done $0x0  }
0x1a: {  	[sflag:s10] =	ssyncadd.s32 $0xFFFFFC18  }
0x1b: {  	[spmem:s1] =	stream.indirect.scatter.add.f32 [tilespmem:s9], [sflag:$0x1], $0x10, s2, s9, $0xb8;
	[tilespmem:$0x1C908] =	vst v63  }
0x1c: {  	_ =	swait.ge [sflag:s10], $0x3E80  }
0x1d: {  	s13 =	simm.s32 $0xFA;
	s12 =	simm.s32 $0x7D;
	[sflag:s10] =	ssyncset.done $0x0  }
.LBB2_2:
0x1e: {  	s14 =	sadd.s32 s12, s7  }
0x1f: {  	[sflag:s10] =	ssyncadd.s32 $0xFFFFC180;
	s12 =	smov.u32 s13;
	s15 =	sadd.s32 $0x7D, s13  }
0x20: {  	[tilespmem:s2], [sflag:$0x1] =	stream.linear.gather [hbm4b:s14+s2], $0x3E8, $0x38;
	[tilespmem:$0x1C908] =	vst v63  }
0x21: {  	p1 =	sne.s32 s13, $0x17ED;
	_ =	swait.ge [sflag:s10], $0x3E8  }
.Ltmp0:
0x22: {  	[sflag:s10] =	ssyncset.done $0x0;
	(pc) =	sbr.rel @p1 .LBB2_2-.Ltmp0, $4  }
0x23: {  	[sflag:s10] =	ssyncadd.s32 $0xFFFFFC18  }
0x24: {  	[spmem:s1] =	stream.indirect.scatter.add.f32 [tilespmem:s9], [sflag:$0x1], $0x10, s2, s9, $0xb8;
	[tilespmem:$0x1C908] =	vst v63  }
0x25: {  	_ =	swait.ge [sflag:s10], $0x3E80  }
0x26: {  	s13 =	smov.u32 s15;
	[sflag:s10] =	ssyncset.done $0x0  }
0x27: {  	s12 =	sadd.s32 s12, s7;
	[sflag:s10] =	ssyncadd.s32 $0xFFFFC180  }
0x28: {  	[tilespmem:s2], [sflag:$0x1] =	stream.linear.gather [hbm4b:s12+s2], $0x3E8, $0x38;
	[tilespmem:$0x1C908] =	vst v63  }
0x29: {  	_ =	swait.ge [sflag:s10], $0x3E8  }
0x2a: {  	[sflag:s10] =	ssyncset.done $0x0  }
0x2b: {  	[sflag:s10] =	ssyncadd.s32 $0xFFFFFC18  }
0x2c: {  	[spmem:s1] =	stream.indirect.scatter.add.f32 [tilespmem:s9], [sflag:$0x1], $0x10, s2, s9, $0xb8;
	[tilespmem:$0x1C908] =	vst v63  }
0x2d: {  	_ =	swait.ge [sflag:s10], $0x3E80  }
0x2e: {  	[sflag:s10] =	ssyncset.done $0x0  }
0x2f: {  	s11 =	sadd.s32 $0x1, s11;
	[sflag:s10] =	ssyncadd.s32 $0xFFFFC180  }
0x30: {  	s12 =	simm.s32 @!p0 $0x1C01;
	p1 =	sne.s32 s11, s6;
	[bflag:$0x0] =	sbarrier.arrive $0xFFFF  }
0x31: {  	[hbm:s5], [sflag:s12] =	dma.local @!p0 [spmem:s8], $0x30D40  }
.Ltmp1:
0x32: {  	_ = 	snop;
	(pc) =	sbr.rel @p1 .LBB2_1-.Ltmp1, $4  }
0x33: {  	s12 =	simm.s32 @!p0 $0x1  }
0x34: {  	_ =	swait.ge @!p0 [sflag:s12], $0x30D40  }
0x35: {  	[sflag:s12] =	ssyncset.done @!p0 $0x0  }
0x36: {  	[sflag:s12] =	ssyncadd.s32 @!p0 $0xFFFCF2C0  }
0x37: {  	_ =	sfence.sel $0x180000  }
0x38: {  	[bflag:$0x0] =	sbarrier.arrive $0xFFFF  }
0x39: {  	_ =	strace $0x90000047  }
0x3a: {  	s0 =	sadd.s32 @!p0 $0x100000, s0;
	[bflag:$0x2] =	sbarrier.arrive $0xFFFF  }
0x3b: {  	[sflag:s0] =	ssyncadd.tile.s32 @!p0 $0x1;
	_ =	shalt  }
.Lfunc_end2:
_tile_overlayer_lowered:
.L_overlay_start_2:
0x3c: {  	(tag) =	ssettag $0x2  }
0x3d: {  	s0 =	rddreg [dreg:$0x0];
	s2 =	stileid.u32  }
0x3e: {  	s1 =	rddreg [dreg:$0x1];
	p0 =	sne.s32 s2, $0x0  }
0x3f: {  	s3 =	rddreg [dreg:$0x2];
	[bflag:$0x3] =	sbarrier.arrive $0xFFFF;
	s2 =	simm.s32 @!p0 $0x1C01  }
0x40: {  	[timem:s3], [sflag:s2] =	dma.local @!p0 [hbm:s0], s1  }
0x41: {  	s0 =	simm.s32 @!p0 $0x1  }
0x42: {  	_ =	swait.ge @!p0 [sflag:s0], s1  }
0x43: {  	s1 =	ssub.s32 @!p0 $0x0, s1;
	[sflag:s0] =	ssyncset.done @!p0 $0x0  }
0x44: {  	[sflag:s0] =	ssyncadd.s32 @!p0 s1  }
0x45: {  	[bflag:$0x3] =	sbarrier.arrive $0xFFFF  }
0x46: {  	_ =	shalt  }

</sc_bundles>
